<compile_context>
chip_gen: v7x
topology: tpu7x:2x2x1
jax: 0.10.2.dev20260603
libtpu: 0.0.44.dev20260713+nightly
codegen_flags: <defaults>
</compile_context>

<pallas_src>
import functools

import jax
import jax.numpy as jnp
from jax import lax
from jax.experimental import pallas as pl
from jax.experimental.pallas import tpu as pltpu
from jax.experimental.pallas import tpu_sc as plsc

D = 128

_NUM_CORES = 2
_NUM_SUBCORES = 16
_NW = _NUM_CORES * _NUM_SUBCORES
_K = 125
_NB = 2
_NH = 2


def _spmm_sc(table, rows, cols, n_rows, zeros):
    n_edges = rows.shape[0]
    nblk = n_edges // (_NW * _K)
    rpt = (n_rows // (_NUM_SUBCORES * 8)) * 8
    rtail = n_rows - _NUM_SUBCORES * rpt
    hblk = nblk // _NH
    assert nblk * _NW * _K == n_edges and rtail % 8 == 0
    assert hblk * _NH == nblk and hblk % 8 == 0 and hblk % _NB == 0
    assert zeros.shape[0] >= n_rows

    rows2d = rows.reshape(-1, _K)
    cols2d = cols.reshape(-1, _K)
    mesh = plsc.VectorSubcoreMesh(core_axis_name="c", subcore_axis_name="s")

    @functools.partial(
        pl.kernel,
        mesh=mesh,
        out_type=jax.ShapeDtypeStruct((_NUM_CORES * n_rows, D), jnp.float32),
        scratch_types=[
            pltpu.VMEM((hblk, _K), jnp.int32),
            pltpu.VMEM((hblk, _K), jnp.int32),
            pltpu.VMEM((_NB, _K, D), jnp.float32),
            pltpu.VMEM_SHARED((n_rows, D), jnp.float32),
            pltpu.SemaphoreType.DMA,
            pltpu.SemaphoreType.DMA,
        ],
    )
    def spmm_kernel(table_hbm, rows_hbm, cols_hbm, zeros_hbm, out_hbm,
                    colbuf, rowbuf, gbuf, acc, sem, zsem):
        c = lax.axis_index("c")
        s = lax.axis_index("s")
        t = c * _NUM_SUBCORES + s

        bbase0 = pl.multiple_of(t * nblk, 8)
        pltpu.async_copy(cols_hbm.at[pl.ds(bbase0, hblk)], colbuf, sem)
        pltpu.async_copy(rows_hbm.at[pl.ds(bbase0, hblk)], rowbuf, sem)

        rbase = s * rpt
        tb = _NUM_SUBCORES * rpt
        pltpu.async_copy(zeros_hbm.at[pl.ds(rbase, rpt)],
                         acc.at[pl.ds(rbase, rpt)], zsem)
        if rtail:
            @pl.when(s == _NUM_SUBCORES - 1)
            def _zero_tail():
                pltpu.async_copy(zeros_hbm.at[pl.ds(tb, rtail)],
                                 acc.at[pl.ds(tb, rtail)], zsem)

        pltpu.make_async_copy(cols_hbm.at[pl.ds(bbase0, hblk)], colbuf, sem).wait()
        pltpu.make_async_copy(rows_hbm.at[pl.ds(bbase0, hblk)], rowbuf, sem).wait()
        for b in range(_NB):
            pltpu.async_copy(table_hbm.at[colbuf.at[b]], gbuf.at[b], sem)

        pltpu.make_async_copy(zeros_hbm.at[pl.ds(rbase, rpt)],
                              acc.at[pl.ds(rbase, rpt)], zsem).wait()
        if rtail:
            @pl.when(s == _NUM_SUBCORES - 1)
            def _wait_tail():
                pltpu.make_async_copy(zeros_hbm.at[pl.ds(tb, rtail)],
                                      acc.at[pl.ds(tb, rtail)], zsem).wait()
        plsc.subcore_barrier()

        for h in range(_NH):
            bbase = pl.multiple_of(t * nblk + h * hblk, 8)
            if h > 0:
                pltpu.sync_copy(cols_hbm.at[pl.ds(bbase, hblk)], colbuf)
                pltpu.sync_copy(rows_hbm.at[pl.ds(bbase, hblk)], rowbuf)
                for b in range(_NB):
                    pltpu.async_copy(table_hbm.at[colbuf.at[b]], gbuf.at[b], sem)

            def body(g, _):
                for b in range(_NB):
                    j = g * _NB + b
                    pltpu.make_async_copy(
                        table_hbm.at[colbuf.at[0]], gbuf.at[b], sem).wait()
                    pltpu.sync_copy(gbuf.at[b], acc.at[rowbuf.at[j]], add=True)

                    @pl.when(j + _NB < hblk)
                    def _refill():
                        pltpu.async_copy(
                            table_hbm.at[colbuf.at[j + _NB]], gbuf.at[b], sem)
                return 0

            lax.fori_loop(0, hblk // _NB, body, 0)
        plsc.subcore_barrier()

        pltpu.sync_copy(acc.at[pl.ds(rbase, rpt)],
                        out_hbm.at[pl.ds(c * n_rows + rbase, rpt)])
        if rtail:
            @pl.when(s == _NUM_SUBCORES - 1)
            def _flush_tail():
                tb = _NUM_SUBCORES * rpt
                pltpu.sync_copy(acc.at[pl.ds(tb, rtail)],
                                out_hbm.at[pl.ds(c * n_rows + tb, rtail)])

    return spmm_kernel(table, rows2d, cols2d, zeros)


_BLK = 2000


def _mlp2(x, w1, b1, w2, b2):
    h = jnp.maximum(
        jnp.dot(x, w1, preferred_element_type=jnp.float32) + b1, 0.0)
    return jnp.maximum(
        jnp.dot(h, w2, preferred_element_type=jnp.float32) + b2, 0.0)


def _lit_body(x_ref, w1p, b1p, w2p, b2p, w1n, b1n, w2n, b2n, o_ref):
    x = x_ref[...]
    o_ref[0] = _mlp2(x, w1p[...], b1p[...], w2p[...], b2p[...])
    o_ref[1] = _mlp2(x, w1n[...], b1n[...], w2n[...], b2n[...])


_W_SPEC = pl.BlockSpec((D, D), lambda i: (0, 0))
_B_SPEC = pl.BlockSpec((1, D), lambda i: (0, 0))


def _mlp_args(p):
    return (p["W1"], p["b1"][None, :], p["W2"], p["b2"][None, :])


_MLP_SPECS = [_W_SPEC, _B_SPEC, _W_SPEC, _B_SPEC]


def _lit_mlp(x, p_pos, p_neg):
    n = x.shape[0]
    nb = n // _BLK
    return pl.pallas_call(
        _lit_body,
        grid=(nb,),
        in_specs=[pl.BlockSpec((_BLK, D), lambda i: (i, 0))]
        + _MLP_SPECS + _MLP_SPECS,
        out_specs=pl.BlockSpec((2, _BLK, D), lambda i: (0, i, 0)),
        out_shape=jax.ShapeDtypeStruct((2, n, D), jnp.float32),
    )(x, *_mlp_args(p_pos), *_mlp_args(p_neg))


def _mid_body(x_ref, p0_ref, p1_ref, uw1, ub1, uw2, ub2,
              w1p, b1p, w2p, b2p, w1n, b1n, w2n, b2n, hc2_ref, lit_ref):
    m = p0_ref[...] + p1_ref[...]
    h = jnp.maximum(
        jnp.dot(x_ref[...], uw1[:D, :], preferred_element_type=jnp.float32)
        + jnp.dot(m, uw1[D:, :], preferred_element_type=jnp.float32)
        + ub1[...], 0.0)
    y = jnp.maximum(
        jnp.dot(h, uw2[...], preferred_element_type=jnp.float32)
        + ub2[...], 0.0)
    hc2_ref[...] = y
    lit_ref[0] = _mlp2(y, w1p[...], b1p[...], w2p[...], b2p[...])
    lit_ref[1] = _mlp2(y, w1n[...], b1n[...], w2n[...], b2n[...])


def _mid_mlp(x, partials, p_u, p_pos, p_neg):
    n = x.shape[0]
    nb = n // _BLK
    return pl.pallas_call(
        _mid_body,
        grid=(nb,),
        in_specs=[
            pl.BlockSpec((_BLK, D), lambda i: (i, 0)),
            pl.BlockSpec((_BLK, D), lambda i: (i, 0)),
            pl.BlockSpec((_BLK, D), lambda i: (nb + i, 0)),
            pl.BlockSpec((2 * D, D), lambda i: (0, 0)),
            _B_SPEC, _W_SPEC, _B_SPEC,
        ] + _MLP_SPECS + _MLP_SPECS,
        out_specs=[
            pl.BlockSpec((_BLK, D), lambda i: (i, 0)),
            pl.BlockSpec((2, _BLK, D), lambda i: (0, i, 0)),
        ],
        out_shape=[
            jax.ShapeDtypeStruct((n, D), jnp.float32),
            jax.ShapeDtypeStruct((2, n, D), jnp.float32),
        ],
    )(x, partials, partials, p_u["W1"], p_u["b1"][None, :], p_u["W2"],
      p_u["b2"][None, :], *_mlp_args(p_pos), *_mlp_args(p_neg))


def _update_body(x_ref, p0_ref, p1_ref, w1_ref, b1_ref, w2_ref, b2_ref, o_ref):
    m = p0_ref[...] + p1_ref[...]
    h = jnp.maximum(
        jnp.dot(x_ref[...], w1_ref[:D, :], preferred_element_type=jnp.float32)
        + jnp.dot(m, w1_ref[D:, :], preferred_element_type=jnp.float32)
        + b1_ref[...], 0.0)
    o_ref[...] = jnp.maximum(
        jnp.dot(h, w2_ref[...], preferred_element_type=jnp.float32)
        + b2_ref[...], 0.0)


def _update_mlp(x, partials, p):
    n = x.shape[0]
    nb = n // _BLK
    b1 = p["b1"][None, :]
    b2 = p["b2"][None, :]
    return pl.pallas_call(
        _update_body,
        grid=(nb,),
        in_specs=[
            pl.BlockSpec((_BLK, D), lambda i: (i, 0)),
            pl.BlockSpec((_BLK, D), lambda i: (i, 0)),
            pl.BlockSpec((_BLK, D), lambda i: (nb + i, 0)),
            pl.BlockSpec((2 * D, D), lambda i: (0, 0)),
            pl.BlockSpec((1, D), lambda i: (0, 0)),
            pl.BlockSpec((D, D), lambda i: (0, 0)),
            pl.BlockSpec((1, D), lambda i: (0, 0)),
        ],
        out_specs=pl.BlockSpec((_BLK, D), lambda i: (i, 0)),
        out_shape=jax.ShapeDtypeStruct((n, D), jnp.float32),
    )(x, partials, partials, p["W1"], b1, p["W2"], b2)


def kernel(hv, hc, params, cadj_row, cadj_col, cadj_val, vadj_row, vadj_col, vadj_val):
    nv, nc = hv.shape[0], hc.shape[0]
    zeros = jnp.zeros((max(nc, nv), D), jnp.float32)
    lit_v = _lit_mlp(hv, params["fmc_pos"], params["fmc_neg"])
    mc_p = _spmm_sc(lit_v.reshape(2 * nv, D), cadj_row, cadj_col, nc, zeros)
    hc2, lit_c = _mid_mlp(hc, mc_p, params["fuc"],
                          params["fmv_pos"], params["fmv_neg"])
    mv_p = _spmm_sc(lit_c.reshape(2 * nc, D), vadj_row, vadj_col, nv, zeros)
    hv2 = _update_mlp(hv, mv_p, params["fuv"])
    return (hv2, hc2)

# --- scband reference (transcript-rebuilt; emitter-appended) ---
"""Pipeline reference for scband-async-graph-conv-11338713661757 (READ-ONLY COPY).

The authoritative reference and input builder live on the scoring server;
editing this copy changes nothing except your own understanding.
"""

import jax, jax.numpy as jnp
import numpy as np

NV = 10000
NC = 10000
E = 320000
D = 128
H = 128
O = 128


def _init_mlp(key, din, dh, dout):
    k1, k2 = jax.random.split(key)
    return {
        "W1": (jax.random.normal(k1, (din, dh)) * (1.0 / np.sqrt(din))).astype(jnp.float32),
        "b1": jnp.zeros((dh,), dtype=jnp.float32),
        "W2": (jax.random.normal(k2, (dh, dout)) * (1.0 / np.sqrt(dh))).astype(jnp.float32),
        "b2": jnp.zeros((dout,), dtype=jnp.float32),
    }


def setup_inputs(seed: int = 0) -> dict:
    key = jax.random.key(seed)
    ks = jax.random.split(key, 12)
    hv = jax.random.normal(ks[0], (NV, D), dtype=jnp.float32)
    hc = jax.random.normal(ks[1], (NC, D), dtype=jnp.float32)
    cadj_row = jnp.sort(jax.random.randint(ks[2], (E,), 0, NC))
    cadj_col = jax.random.randint(ks[3], (E,), 0, 2 * NV)
    cadj_val = jnp.ones((E,), dtype=jnp.float32)
    vadj_row = jnp.sort(jax.random.randint(ks[4], (E,), 0, NV))
    vadj_col = jax.random.randint(ks[5], (E,), 0, 2 * NC)
    vadj_val = jnp.ones((E,), dtype=jnp.float32)
    params = {
        "fmc_pos": _init_mlp(ks[6], D, H, O),
        "fmc_neg": _init_mlp(ks[7], D, H, O),
        "fuc": _init_mlp(ks[8], D + O, H, O),
        "fmv_pos": _init_mlp(ks[9], O, H, O),
        "fmv_neg": _init_mlp(ks[10], O, H, O),
        "fuv": _init_mlp(ks[11], D + O, H, O),
    }
    return {
        "hv": hv,
        "hc": hc,
        "params": params,
        "cadj_row": cadj_row,
        "cadj_col": cadj_col,
        "cadj_val": cadj_val,
        "vadj_row": vadj_row,
        "vadj_col": vadj_col,
        "vadj_val": vadj_val,
    }


def _mlp(p, x):
    # Linear -> hidden activation (ReLU per mlp_arch) -> Linear -> output ReLU
    h = jnp.maximum(x @ p["W1"] + p["b1"], 0.0)
    return jnp.maximum(h @ p["W2"] + p["b2"], 0.0)


def _spmm(rows, cols, vals, X, n_rows):
    # torch.spmm(A_coo, X): gather X rows by col index, scale by values,
    # scatter-add into destination rows (segment_sum).
    return jax.ops.segment_sum(vals[:, None] * X[cols], rows, num_segments=n_rows)


def reference(hv, hc, params, cadj_row, cadj_col, cadj_val, vadj_row, vadj_col, vadj_val):
    lit_v = jnp.concatenate([_mlp(params["fmc_pos"], hv), _mlp(params["fmc_neg"], hv)], axis=0)
    mc = _spmm(cadj_row, cadj_col, cadj_val, lit_v, hc.shape[0])
    hc2 = _mlp(params["fuc"], jnp.concatenate([hc, mc], axis=1))
    lit_c = jnp.concatenate([_mlp(params["fmv_pos"], hc2), _mlp(params["fmv_neg"], hc2)], axis=0)
    mv = _spmm(vadj_row, vadj_col, vadj_val, lit_c, hv.shape[0])
    hv2 = _mlp(params["fuv"], jnp.concatenate([hv, mv], axis=1))
    return (hv2, hc2)

if __name__ == "__main__":
    import jax
    _d = setup_inputs()
    print(jax.jit(kernel)(*tuple(_d.values())))

</pallas_src>

<mosaic_0001>
#map = affine_map<(d0, d1) -> (0, 0)>
module attributes {stable_mosaic.version = 14 : i64} {
  func.func @spmm_kernel(%arg0: i32, %arg1: i32, %arg2: memref<20000x128xf32, #tpu.memory_space<hbm>>, %arg3: memref<2560x125xi32, #tpu.memory_space<hbm>>, %arg4: memref<2560x125xi32, #tpu.memory_space<hbm>>, %arg5: memref<10000x128xf32, #tpu.memory_space<hbm>>, %arg6: memref<20000x128xf32, #tpu.memory_space<hbm>>, %arg7: memref<40x125xi32, #tpu.memory_space<vmem>>, %arg8: memref<40x125xi32, #tpu.memory_space<vmem>>, %arg9: memref<2x125x128xf32, #tpu.memory_space<vmem>>, %arg10: memref<10000x128xf32, #tpu.memory_space<vmem_shared>>, %arg11: memref<!tpu.dma_semaphore, #tpu.memory_space<semaphore_mem>>, %arg12: memref<!tpu.dma_semaphore, #tpu.memory_space<semaphore_mem>>) attributes {dimension_semantics = [#tpu.dimension_semantics<core_parallel>, #tpu.dimension_semantics<subcore_parallel>], iteration_bounds = array<i64: 2, 16>, scalar_prefetch = 0 : i64, scratch_operands = 6 : i64, tpu.core_type = #tpu.core_type<sc_vector_subcore>, window_params = [{transform_indices = #map}, {transform_indices = #map}, {transform_indices = #map}, {transform_indices = #map}, {transform_indices = #map}]} {
    %mul3A = arith.constant 16 : i32
    %mul3A_0 = arith.muli %arg0, %mul3A : i32
    %add3A = arith.addi %mul3A_0, %arg1 : i32
    %mul3A_1 = arith.constant 80 : i32
    %mul3A_2 = arith.muli %add3A, %mul3A_1 : i32
    %multiple_of3A = tpu.assume_multiple %mul3A_2, 8 : i32
    %dma_start3A = arith.constant 0 : i32
    %dma_start3A_3 = tpu.memref_slice %arg4[%multiple_of3A, %dma_start3A] : memref<2560x125xi32, #tpu.memory_space<hbm>> -> memref<40x125xi32, #tpu.memory_space<hbm>>
    %dma_start3A_4 = arith.constant 0 : i32
    %dma_start3A_5 = tpu.memref_slice %arg4[%multiple_of3A, %dma_start3A_4] : memref<2560x125xi32, #tpu.memory_space<hbm>> -> memref<40x125xi32, #tpu.memory_space<hbm>>
    tpu.enqueue_dma source(%dma_start3A_5 : memref<40x125xi32, #tpu.memory_space<hbm>>) target(%arg7 : memref<40x125xi32, #tpu.memory_space<vmem>>) target_semaphore(%arg11 : memref<!tpu.dma_semaphore, #tpu.memory_space<semaphore_mem>>)
    %dma_start3A_6 = arith.constant 0 : i32
    %dma_start3A_7 = tpu.memref_slice %arg3[%multiple_of3A, %dma_start3A_6] : memref<2560x125xi32, #tpu.memory_space<hbm>> -> memref<40x125xi32, #tpu.memory_space<hbm>>
    %dma_start3A_8 = arith.constant 0 : i32
    %dma_start3A_9 = tpu.memref_slice %arg3[%multiple_of3A, %dma_start3A_8] : memref<2560x125xi32, #tpu.memory_space<hbm>> -> memref<40x125xi32, #tpu.memory_space<hbm>>
    tpu.enqueue_dma source(%dma_start3A_9 : memref<40x125xi32, #tpu.memory_space<hbm>>) target(%arg8 : memref<40x125xi32, #tpu.memory_space<vmem>>) target_semaphore(%arg11 : memref<!tpu.dma_semaphore, #tpu.memory_space<semaphore_mem>>)
    %mul3A_10 = arith.constant 624 : i32
    %mul3A_11 = arith.muli %arg1, %mul3A_10 : i32
    %dma_start3A_12 = arith.constant 0 : i32
    %dma_start3A_13 = tpu.memref_slice %arg10[%mul3A_11, %dma_start3A_12] : memref<10000x128xf32, #tpu.memory_space<vmem_shared>> -> memref<624x128xf32, #tpu.memory_space<vmem_shared>>
    %dma_start3A_14 = arith.constant 0 : i32
    %dma_start3A_15 = tpu.memref_slice %arg5[%mul3A_11, %dma_start3A_14] : memref<10000x128xf32, #tpu.memory_space<hbm>> -> memref<624x128xf32, #tpu.memory_space<hbm>>
    tpu.enqueue_dma source(%dma_start3A_15 : memref<624x128xf32, #tpu.memory_space<hbm>>) target(%dma_start3A_13 : memref<624x128xf32, #tpu.memory_space<vmem_shared>>) target_semaphore(%arg12 : memref<!tpu.dma_semaphore, #tpu.memory_space<semaphore_mem>>)
    %eq3A = arith.constant 15 : i32
    %eq3A_16 = arith.cmpi eq, %arg1, %eq3A : i32
    %convert_element_type3A = arith.extui %eq3A_16 : i1 to i32
    %cond3A = arith.constant 0 : i32
    %cond3A_17 = arith.cmpi ne, %convert_element_type3A, %cond3A : i32
    scf.if %cond3A_17 {
      %dma_start3A_114 = arith.constant 9984 : i32
      %dma_start3A_115 = arith.constant 0 : i32
      %dma_start3A_116 = tpu.memref_slice %arg10[%dma_start3A_114, %dma_start3A_115] : memref<10000x128xf32, #tpu.memory_space<vmem_shared>> -> memref<16x128xf32, #tpu.memory_space<vmem_shared>>
      %dma_start3A_117 = arith.constant 9984 : i32
      %dma_start3A_118 = arith.constant 0 : i32
      %dma_start3A_119 = tpu.memref_slice %arg5[%dma_start3A_117, %dma_start3A_118] : memref<10000x128xf32, #tpu.memory_space<hbm>> -> memref<16x128xf32, #tpu.memory_space<hbm>>
      tpu.enqueue_dma source(%dma_start3A_119 : memref<16x128xf32, #tpu.memory_space<hbm>>) target(%dma_start3A_116 : memref<16x128xf32, #tpu.memory_space<vmem_shared>>) target_semaphore(%arg12 : memref<!tpu.dma_semaphore, #tpu.memory_space<semaphore_mem>>)
    } else {
    }
    %dma_wait3A = arith.constant 0 : i32
    %dma_wait3A_18 = tpu.memref_slice %arg4[%multiple_of3A, %dma_wait3A] : memref<2560x125xi32, #tpu.memory_space<hbm>> -> memref<40x125xi32, #tpu.memory_space<hbm>>
    %dma_wait3A_19 = arith.constant 0 : i32
    %dma_wait3A_20 = tpu.memref_slice %arg4[%multiple_of3A, %dma_wait3A_19] : memref<2560x125xi32, #tpu.memory_space<hbm>> -> memref<40x125xi32, #tpu.memory_space<hbm>>
    tpu.wait_dma2 semaphore(%arg11 : memref<!tpu.dma_semaphore, #tpu.memory_space<semaphore_mem>>) src(%dma_wait3A_20 : memref<40x125xi32, #tpu.memory_space<hbm>>) dst(%arg7 : memref<40x125xi32, #tpu.memory_space<vmem>>)
    %dma_wait3A_21 = arith.constant 0 : i32
    %dma_wait3A_22 = tpu.memref_slice %arg3[%multiple_of3A, %dma_wait3A_21] : memref<2560x125xi32, #tpu.memory_space<hbm>> -> memref<40x125xi32, #tpu.memory_space<hbm>>
    %dma_wait3A_23 = arith.constant 0 : i32
    %dma_wait3A_24 = tpu.memref_slice %arg3[%multiple_of3A, %dma_wait3A_23] : memref<2560x125xi32, #tpu.memory_space<hbm>> -> memref<40x125xi32, #tpu.memory_space<hbm>>
    tpu.wait_dma2 semaphore(%arg11 : memref<!tpu.dma_semaphore, #tpu.memory_space<semaphore_mem>>) src(%dma_wait3A_24 : memref<40x125xi32, #tpu.memory_space<hbm>>) dst(%arg8 : memref<40x125xi32, #tpu.memory_space<vmem>>)
    %dma_start3A_25 = arith.constant 0 : i32
    %dma_start3A_26 = arith.constant 0 : i32
    %dma_start3A_27 = arith.constant 0 : i32
    %dma_start3A_28 = arith.constant 0 : i32
    %dma_start3A_29 = tpu.memref_slice %arg9[%dma_start3A_26, %dma_start3A_27, %dma_start3A_28] : memref<2x125x128xf32, #tpu.memory_space<vmem>> -> memref<1x125x128xf32, #tpu.memory_space<vmem>>
    %dma_start3A_30 = tpu.memref_squeeze %dma_start3A_29 : memref<1x125x128xf32, #tpu.memory_space<vmem>> -> memref<125x128xf32, #tpu.memory_space<vmem>>
    %dma_start3A_31 = arith.constant 0 : i32
    %dma_start3A_32 = tpu.memref_slice %arg7[%dma_start3A_25, %dma_start3A_31] : memref<40x125xi32, #tpu.memory_space<vmem>> -> memref<1x125xi32, #tpu.memory_space<vmem>>
    %dma_start3A_33 = tpu.memref_squeeze %dma_start3A_32 : memref<1x125xi32, #tpu.memory_space<vmem>> -> memref<125xi32, #tpu.memory_space<vmem>>
    %dma_start3A_34 = arith.constant 0 : i32
    %dma_start3A_35 = arith.constant 0 : i32
    %dma_start3A_36 = tpu.memref_slice %arg2[%dma_start3A_34, %dma_start3A_35] : memref<20000x128xf32, #tpu.memory_space<hbm>> -> memref<20000x128xf32, #tpu.memory_space<hbm>>
    tpu.enqueue_indirect_dma source(%dma_start3A_36 : memref<20000x128xf32, #tpu.memory_space<hbm>>) target(%dma_start3A_30 : memref<125x128xf32, #tpu.memory_space<vmem>>) offsets(%dma_start3A_33 : memref<125xi32, #tpu.memory_space<vmem>>) semaphore(%arg11 : memref<!tpu.dma_semaphore, #tpu.memory_space<semaphore_mem>>)
    %dma_start3A_37 = arith.constant 1 : i32
    %dma_start3A_38 = arith.constant 1 : i32
    %dma_start3A_39 = arith.constant 0 : i32
    %dma_start3A_40 = arith.constant 0 : i32
    %dma_start3A_41 = tpu.memref_slice %arg9[%dma_start3A_38, %dma_start3A_39, %dma_start3A_40] : memref<2x125x128xf32, #tpu.memory_space<vmem>> -> memref<1x125x128xf32, #tpu.memory_space<vmem>>
    %dma_start3A_42 = tpu.memref_squeeze %dma_start3A_41 : memref<1x125x128xf32, #tpu.memory_space<vmem>> -> memref<125x128xf32, #tpu.memory_space<vmem>>
    %dma_start3A_43 = arith.constant 0 : i32
    %dma_start3A_44 = tpu.memref_slice %arg7[%dma_start3A_37, %dma_start3A_43] : memref<40x125xi32, #tpu.memory_space<vmem>> -> memref<1x125xi32, #tpu.memory_space<vmem>>
    %dma_start3A_45 = tpu.memref_squeeze %dma_start3A_44 : memref<1x125xi32, #tpu.memory_space<vmem>> -> memref<125xi32, #tpu.memory_space<vmem>>
    %dma_start3A_46 = arith.constant 0 : i32
    %dma_start3A_47 = arith.constant 0 : i32
    %dma_start3A_48 = tpu.memref_slice %arg2[%dma_start3A_46, %dma_start3A_47] : memref<20000x128xf32, #tpu.memory_space<hbm>> -> memref<20000x128xf32, #tpu.memory_space<hbm>>
    tpu.enqueue_indirect_dma source(%dma_start3A_48 : memref<20000x128xf32, #tpu.memory_space<hbm>>) target(%dma_start3A_42 : memref<125x128xf32, #tpu.memory_space<vmem>>) offsets(%dma_start3A_45 : memref<125xi32, #tpu.memory_space<vmem>>) semaphore(%arg11 : memref<!tpu.dma_semaphore, #tpu.memory_space<semaphore_mem>>)
    %dma_wait3A_49 = arith.constant 0 : i32
    %dma_wait3A_50 = tpu.memref_slice %arg10[%mul3A_11, %dma_wait3A_49] : memref<10000x128xf32, #tpu.memory_space<vmem_shared>> -> memref<624x128xf32, #tpu.memory_space<vmem_shared>>
    %dma_wait3A_51 = arith.constant 0 : i32
    %dma_wait3A_52 = tpu.memref_slice %arg5[%mul3A_11, %dma_wait3A_51] : memref<10000x128xf32, #tpu.memory_space<hbm>> -> memref<624x128xf32, #tpu.memory_space<hbm>>
    tpu.wait_dma2 semaphore(%arg12 : memref<!tpu.dma_semaphore, #tpu.memory_space<semaphore_mem>>) src(%dma_wait3A_52 : memref<624x128xf32, #tpu.memory_space<hbm>>) dst(%dma_wait3A_50 : memref<624x128xf32, #tpu.memory_space<vmem_shared>>)
    %eq3A_53 = arith.constant 15 : i32
    %eq3A_54 = arith.cmpi eq, %arg1, %eq3A_53 : i32
    %convert_element_type3A_55 = arith.extui %eq3A_54 : i1 to i32
    %cond3A_56 = arith.constant 0 : i32
    %cond3A_57 = arith.cmpi ne, %convert_element_type3A_55, %cond3A_56 : i32
    scf.if %cond3A_57 {
      %dma_wait3A_114 = arith.constant 9984 : i32
      %dma_wait3A_115 = arith.constant 0 : i32
      %dma_wait3A_116 = tpu.memref_slice %arg10[%dma_wait3A_114, %dma_wait3A_115] : memref<10000x128xf32, #tpu.memory_space<vmem_shared>> -> memref<16x128xf32, #tpu.memory_space<vmem_shared>>
      %dma_wait3A_117 = arith.constant 9984 : i32
      %dma_wait3A_118 = arith.constant 0 : i32
      %dma_wait3A_119 = tpu.memref_slice %arg5[%dma_wait3A_117, %dma_wait3A_118] : memref<10000x128xf32, #tpu.memory_space<hbm>> -> memref<16x128xf32, #tpu.memory_space<hbm>>
      tpu.wait_dma2 semaphore(%arg12 : memref<!tpu.dma_semaphore, #tpu.memory_space<semaphore_mem>>) src(%dma_wait3A_119 : memref<16x128xf32, #tpu.memory_space<hbm>>) dst(%dma_wait3A_116 : memref<16x128xf32, #tpu.memory_space<vmem_shared>>)
    } else {
    }
    %barrier3A = arith.constant 0 : index
    tpu.barrier barrier_id(%barrier3A)
    %mul3A_58 = arith.constant 80 : i32
    %mul3A_59 = arith.muli %add3A, %mul3A_58 : i32
    %add3A_60 = arith.constant 0 : i32
    %add3A_61 = arith.addi %mul3A_59, %add3A_60 : i32
    %multiple_of3A_62 = tpu.assume_multiple %add3A_61, 8 : i32
    %scan3A = arith.constant 0 : i32
    %scan3A_63 = arith.constant 0 : i32
    %scan3A_64 = arith.constant 20 : i32
    %scan3A_65 = arith.addi %scan3A_63, %scan3A_64 : i32
    %scan3A_66 = arith.constant 1 : i32
    %scan3A_67 = scf.for %scan3A_114 = %scan3A_63 to %scan3A_65 step %scan3A_66 iter_args(%scan3A_115 = %scan3A) -> (i32)  : i32 {
      %mul3A_116 = arith.constant 2 : i32
      %mul3A_117 = arith.muli %scan3A_114, %mul3A_116 : i32
      %add3A_118 = arith.constant 0 : i32
      %add3A_119 = arith.addi %mul3A_117, %add3A_118 : i32
      %dma_wait3A_120 = arith.constant 0 : i32
      %dma_wait3A_121 = arith.constant 0 : i32
      %dma_wait3A_122 = arith.constant 0 : i32
      %dma_wait3A_123 = arith.constant 0 : i32
      %dma_wait3A_124 = tpu.memref_slice %arg9[%dma_wait3A_121, %dma_wait3A_122, %dma_wait3A_123] : memref<2x125x128xf32, #tpu.memory_space<vmem>> -> memref<1x125x128xf32, #tpu.memory_space<vmem>>
      %dma_wait3A_125 = tpu.memref_squeeze %dma_wait3A_124 : memref<1x125x128xf32, #tpu.memory_space<vmem>> -> memref<125x128xf32, #tpu.memory_space<vmem>>
      %dma_wait3A_126 = arith.constant 0 : i32
      %dma_wait3A_127 = tpu.memref_slice %arg7[%dma_wait3A_120, %dma_wait3A_126] : memref<40x125xi32, #tpu.memory_space<vmem>> -> memref<1x125xi32, #tpu.memory_space<vmem>>
      %dma_wait3A_128 = tpu.memref_squeeze %dma_wait3A_127 : memref<1x125xi32, #tpu.memory_space<vmem>> -> memref<125xi32, #tpu.memory_space<vmem>>
      %dma_wait3A_129 = arith.constant 0 : i32
      %dma_wait3A_130 = arith.constant 0 : i32
      %dma_wait3A_131 = tpu.memref_slice %arg2[%dma_wait3A_129, %dma_wait3A_130] : memref<20000x128xf32, #tpu.memory_space<hbm>> -> memref<20000x128xf32, #tpu.memory_space<hbm>>
      tpu.wait_indirect_dma semaphore(%arg11 : memref<!tpu.dma_semaphore, #tpu.memory_space<semaphore_mem>>) src(%dma_wait3A_131 : memref<20000x128xf32, #tpu.memory_space<hbm>>) dst(%dma_wait3A_125 : memref<125x128xf32, #tpu.memory_space<vmem>>)
      %run_scoped3A = arith.constant 0 : i32
      "tpu.region"() ({
        %run_scoped3A_163 = tpu.sem_alloc : memref<!tpu.dma_semaphore, #tpu.memory_space<semaphore_mem>>
        %dma_start3A_164 = arith.constant 0 : i32
        %dma_start3A_165 = arith.constant 0 : i32
        %dma_start3A_166 = tpu.memref_slice %arg9[%run_scoped3A, %dma_start3A_164, %dma_start3A_165] : memref<2x125x128xf32, #tpu.memory_space<vmem>> -> memref<1x125x128xf32, #tpu.memory_space<vmem>>
        %dma_start3A_167 = tpu.memref_squeeze %dma_start3A_166 : memref<1x125x128xf32, #tpu.memory_space<vmem>> -> memref<125x128xf32, #tpu.memory_space<vmem>>
        %dma_start3A_168 = arith.constant 0 : i32
        %dma_start3A_169 = tpu.memref_slice %arg8[%add3A_119, %dma_start3A_168] : memref<40x125xi32, #tpu.memory_space<vmem>> -> memref<1x125xi32, #tpu.memory_space<vmem>>
        %dma_start3A_170 = tpu.memref_squeeze %dma_start3A_169 : memref<1x125xi32, #tpu.memory_space<vmem>> -> memref<125xi32, #tpu.memory_space<vmem>>
        %dma_start3A_171 = arith.constant 0 : i32
        %dma_start3A_172 = arith.constant 0 : i32
        %dma_start3A_173 = tpu.memref_slice %arg10[%dma_start3A_171, %dma_start3A_172] : memref<10000x128xf32, #tpu.memory_space<vmem_shared>> -> memref<10000x128xf32, #tpu.memory_space<vmem_shared>>
        tpu.enqueue_indirect_dma source(%dma_start3A_167 : memref<125x128xf32, #tpu.memory_space<vmem>>) target(%dma_start3A_173 : memref<10000x128xf32, #tpu.memory_space<vmem_shared>>) offsets(%dma_start3A_170 : memref<125xi32, #tpu.memory_space<vmem>>) semaphore(%run_scoped3A_163 : memref<!tpu.dma_semaphore, #tpu.memory_space<semaphore_mem>>) {add = true}
        %dma_wait3A_174 = arith.constant 0 : i32
        %dma_wait3A_175 = arith.constant 0 : i32
        %dma_wait3A_176 = tpu.memref_slice %arg9[%run_scoped3A, %dma_wait3A_174, %dma_wait3A_175] : memref<2x125x128xf32, #tpu.memory_space<vmem>> -> memref<1x125x128xf32, #tpu.memory_space<vmem>>
        %dma_wait3A_177 = tpu.memref_squeeze %dma_wait3A_176 : memref<1x125x128xf32, #tpu.memory_space<vmem>> -> memref<125x128xf32, #tpu.memory_space<vmem>>
        %dma_wait3A_178 = arith.constant 0 : i32
        %dma_wait3A_179 = tpu.memref_slice %arg8[%add3A_119, %dma_wait3A_178] : memref<40x125xi32, #tpu.memory_space<vmem>> -> memref<1x125xi32, #tpu.memory_space<vmem>>
        %dma_wait3A_180 = tpu.memref_squeeze %dma_wait3A_179 : memref<1x125xi32, #tpu.memory_space<vmem>> -> memref<125xi32, #tpu.memory_space<vmem>>
        %dma_wait3A_181 = arith.constant 0 : i32
        %dma_wait3A_182 = arith.constant 0 : i32
        %dma_wait3A_183 = tpu.memref_slice %arg10[%dma_wait3A_181, %dma_wait3A_182] : memref<10000x128xf32, #tpu.memory_space<vmem_shared>> -> memref<10000x128xf32, #tpu.memory_space<vmem_shared>>
        tpu.wait_indirect_dma semaphore(%run_scoped3A_163 : memref<!tpu.dma_semaphore, #tpu.memory_space<semaphore_mem>>) src(%dma_wait3A_177 : memref<125x128xf32, #tpu.memory_space<vmem>>) dst(%dma_wait3A_183 : memref<10000x128xf32, #tpu.memory_space<vmem_shared>>)
        tpu.yield
      }) : () -> ()
      %add3A_132 = arith.constant 2 : i32
      %add3A_133 = arith.addi %add3A_119, %add3A_132 : i32
      %lt3A = arith.constant 40 : i32
      %lt3A_134 = arith.cmpi slt, %add3A_133, %lt3A : i32
      %convert_element_type3A_135 = arith.extui %lt3A_134 : i1 to i32
      %cond3A_136 = arith.constant 0 : i32
      %cond3A_137 = arith.cmpi ne, %convert_element_type3A_135, %cond3A_136 : i32
      scf.if %cond3A_137 {
        %add3A_163 = arith.constant 2 : i32
        %add3A_164 = arith.addi %add3A_119, %add3A_163 : i32
        %dma_start3A_165 = arith.constant 0 : i32
        %dma_start3A_166 = arith.constant 0 : i32
        %dma_start3A_167 = arith.constant 0 : i32
        %dma_start3A_168 = tpu.memref_slice %arg9[%dma_start3A_165, %dma_start3A_166, %dma_start3A_167] : memref<2x125x128xf32, #tpu.memory_space<vmem>> -> memref<1x125x128xf32, #tpu.memory_space<vmem>>
        %dma_start3A_169 = tpu.memref_squeeze %dma_start3A_168 : memref<1x125x128xf32, #tpu.memory_space<vmem>> -> memref<125x128xf32, #tpu.memory_space<vmem>>
        %dma_start3A_170 = arith.constant 0 : i32
        %dma_start3A_171 = tpu.memref_slice %arg7[%add3A_164, %dma_start3A_170] : memref<40x125xi32, #tpu.memory_space<vmem>> -> memref<1x125xi32, #tpu.memory_space<vmem>>
        %dma_start3A_172 = tpu.memref_squeeze %dma_start3A_171 : memref<1x125xi32, #tpu.memory_space<vmem>> -> memref<125xi32, #tpu.memory_space<vmem>>
        %dma_start3A_173 = arith.constant 0 : i32
        %dma_start3A_174 = arith.constant 0 : i32
        %dma_start3A_175 = tpu.memref_slice %arg2[%dma_start3A_173, %dma_start3A_174] : memref<20000x128xf32, #tpu.memory_space<hbm>> -> memref<20000x128xf32, #tpu.memory_space<hbm>>
        tpu.enqueue_indirect_dma source(%dma_start3A_175 : memref<20000x128xf32, #tpu.memory_space<hbm>>) target(%dma_start3A_169 : memref<125x128xf32, #tpu.memory_space<vmem>>) offsets(%dma_start3A_172 : memref<125xi32, #tpu.memory_space<vmem>>) semaphore(%arg11 : memref<!tpu.dma_semaphore, #tpu.memory_space<semaphore_mem>>)
      } else {
      }
      %mul3A_138 = arith.constant 2 : i32
      %mul3A_139 = arith.muli %scan3A_114, %mul3A_138 : i32
      %add3A_140 = arith.constant 1 : i32
      %add3A_141 = arith.addi %mul3A_139, %add3A_140 : i32
      %dma_wait3A_142 = arith.constant 0 : i32
      %dma_wait3A_143 = arith.constant 1 : i32
      %dma_wait3A_144 = arith.constant 0 : i32
      %dma_wait3A_145 = arith.constant 0 : i32
      %dma_wait3A_146 = tpu.memref_slice %arg9[%dma_wait3A_143, %dma_wait3A_144, %dma_wait3A_145] : memref<2x125x128xf32, #tpu.memory_space<vmem>> -> memref<1x125x128xf32, #tpu.memory_space<vmem>>
      %dma_wait3A_147 = tpu.memref_squeeze %dma_wait3A_146 : memref<1x125x128xf32, #tpu.memory_space<vmem>> -> memref<125x128xf32, #tpu.memory_space<vmem>>
      %dma_wait3A_148 = arith.constant 0 : i32
      %dma_wait3A_149 = tpu.memref_slice %arg7[%dma_wait3A_142, %dma_wait3A_148] : memref<40x125xi32, #tpu.memory_space<vmem>> -> memref<1x125xi32, #tpu.memory_space<vmem>>
      %dma_wait3A_150 = tpu.memref_squeeze %dma_wait3A_149 : memref<1x125xi32, #tpu.memory_space<vmem>> -> memref<125xi32, #tpu.memory_space<vmem>>
      %dma_wait3A_151 = arith.constant 0 : i32
      %dma_wait3A_152 = arith.constant 0 : i32
      %dma_wait3A_153 = tpu.memref_slice %arg2[%dma_wait3A_151, %dma_wait3A_152] : memref<20000x128xf32, #tpu.memory_space<hbm>> -> memref<20000x128xf32, #tpu.memory_space<hbm>>
      tpu.wait_indirect_dma semaphore(%arg11 : memref<!tpu.dma_semaphore, #tpu.memory_space<semaphore_mem>>) src(%dma_wait3A_153 : memref<20000x128xf32, #tpu.memory_space<hbm>>) dst(%dma_wait3A_147 : memref<125x128xf32, #tpu.memory_space<vmem>>)
      %run_scoped3A_154 = arith.constant 1 : i32
      "tpu.region"() ({
        %run_scoped3A_163 = tpu.sem_alloc : memref<!tpu.dma_semaphore, #tpu.memory_space<semaphore_mem>>
        %dma_start3A_164 = arith.constant 0 : i32
        %dma_start3A_165 = arith.constant 0 : i32
        %dma_start3A_166 = tpu.memref_slice %arg9[%run_scoped3A_154, %dma_start3A_164, %dma_start3A_165] : memref<2x125x128xf32, #tpu.memory_space<vmem>> -> memref<1x125x128xf32, #tpu.memory_space<vmem>>
        %dma_start3A_167 = tpu.memref_squeeze %dma_start3A_166 : memref<1x125x128xf32, #tpu.memory_space<vmem>> -> memref<125x128xf32, #tpu.memory_space<vmem>>
        %dma_start3A_168 = arith.constant 0 : i32
        %dma_start3A_169 = tpu.memref_slice %arg8[%add3A_141, %dma_start3A_168] : memref<40x125xi32, #tpu.memory_space<vmem>> -> memref<1x125xi32, #tpu.memory_space<vmem>>
        %dma_start3A_170 = tpu.memref_squeeze %dma_start3A_169 : memref<1x125xi32, #tpu.memory_space<vmem>> -> memref<125xi32, #tpu.memory_space<vmem>>
        %dma_start3A_171 = arith.constant 0 : i32
        %dma_start3A_172 = arith.constant 0 : i32
        %dma_start3A_173 = tpu.memref_slice %arg10[%dma_start3A_171, %dma_start3A_172] : memref<10000x128xf32, #tpu.memory_space<vmem_shared>> -> memref<10000x128xf32, #tpu.memory_space<vmem_shared>>
        tpu.enqueue_indirect_dma source(%dma_start3A_167 : memref<125x128xf32, #tpu.memory_space<vmem>>) target(%dma_start3A_173 : memref<10000x128xf32, #tpu.memory_space<vmem_shared>>) offsets(%dma_start3A_170 : memref<125xi32, #tpu.memory_space<vmem>>) semaphore(%run_scoped3A_163 : memref<!tpu.dma_semaphore, #tpu.memory_space<semaphore_mem>>) {add = true}
        %dma_wait3A_174 = arith.constant 0 : i32
        %dma_wait3A_175 = arith.constant 0 : i32
        %dma_wait3A_176 = tpu.memref_slice %arg9[%run_scoped3A_154, %dma_wait3A_174, %dma_wait3A_175] : memref<2x125x128xf32, #tpu.memory_space<vmem>> -> memref<1x125x128xf32, #tpu.memory_space<vmem>>
        %dma_wait3A_177 = tpu.memref_squeeze %dma_wait3A_176 : memref<1x125x128xf32, #tpu.memory_space<vmem>> -> memref<125x128xf32, #tpu.memory_space<vmem>>
        %dma_wait3A_178 = arith.constant 0 : i32
        %dma_wait3A_179 = tpu.memref_slice %arg8[%add3A_141, %dma_wait3A_178] : memref<40x125xi32, #tpu.memory_space<vmem>> -> memref<1x125xi32, #tpu.memory_space<vmem>>
        %dma_wait3A_180 = tpu.memref_squeeze %dma_wait3A_179 : memref<1x125xi32, #tpu.memory_space<vmem>> -> memref<125xi32, #tpu.memory_space<vmem>>
        %dma_wait3A_181 = arith.constant 0 : i32
        %dma_wait3A_182 = arith.constant 0 : i32
        %dma_wait3A_183 = tpu.memref_slice %arg10[%dma_wait3A_181, %dma_wait3A_182] : memref<10000x128xf32, #tpu.memory_space<vmem_shared>> -> memref<10000x128xf32, #tpu.memory_space<vmem_shared>>
        tpu.wait_indirect_dma semaphore(%run_scoped3A_163 : memref<!tpu.dma_semaphore, #tpu.memory_space<semaphore_mem>>) src(%dma_wait3A_177 : memref<125x128xf32, #tpu.memory_space<vmem>>) dst(%dma_wait3A_183 : memref<10000x128xf32, #tpu.memory_space<vmem_shared>>)
        tpu.yield
      }) : () -> ()
      %add3A_155 = arith.constant 2 : i32
      %add3A_156 = arith.addi %add3A_141, %add3A_155 : i32
      %lt3A_157 = arith.constant 40 : i32
      %lt3A_158 = arith.cmpi slt, %add3A_156, %lt3A_157 : i32
      %convert_element_type3A_159 = arith.extui %lt3A_158 : i1 to i32
      %cond3A_160 = arith.constant 0 : i32
      %cond3A_161 = arith.cmpi ne, %convert_element_type3A_159, %cond3A_160 : i32
      scf.if %cond3A_161 {
        %add3A_163 = arith.constant 2 : i32
        %add3A_164 = arith.addi %add3A_141, %add3A_163 : i32
        %dma_start3A_165 = arith.constant 1 : i32
        %dma_start3A_166 = arith.constant 0 : i32
        %dma_start3A_167 = arith.constant 0 : i32
        %dma_start3A_168 = tpu.memref_slice %arg9[%dma_start3A_165, %dma_start3A_166, %dma_start3A_167] : memref<2x125x128xf32, #tpu.memory_space<vmem>> -> memref<1x125x128xf32, #tpu.memory_space<vmem>>
        %dma_start3A_169 = tpu.memref_squeeze %dma_start3A_168 : memref<1x125x128xf32, #tpu.memory_space<vmem>> -> memref<125x128xf32, #tpu.memory_space<vmem>>
        %dma_start3A_170 = arith.constant 0 : i32
        %dma_start3A_171 = tpu.memref_slice %arg7[%add3A_164, %dma_start3A_170] : memref<40x125xi32, #tpu.memory_space<vmem>> -> memref<1x125xi32, #tpu.memory_space<vmem>>
        %dma_start3A_172 = tpu.memref_squeeze %dma_start3A_171 : memref<1x125xi32, #tpu.memory_space<vmem>> -> memref<125xi32, #tpu.memory_space<vmem>>
        %dma_start3A_173 = arith.constant 0 : i32
        %dma_start3A_174 = arith.constant 0 : i32
        %dma_start3A_175 = tpu.memref_slice %arg2[%dma_start3A_173, %dma_start3A_174] : memref<20000x128xf32, #tpu.memory_space<hbm>> -> memref<20000x128xf32, #tpu.memory_space<hbm>>
        tpu.enqueue_indirect_dma source(%dma_start3A_175 : memref<20000x128xf32, #tpu.memory_space<hbm>>) target(%dma_start3A_169 : memref<125x128xf32, #tpu.memory_space<vmem>>) offsets(%dma_start3A_172 : memref<125xi32, #tpu.memory_space<vmem>>) semaphore(%arg11 : memref<!tpu.dma_semaphore, #tpu.memory_space<semaphore_mem>>)
      } else {
      }
      %scan3A_162 = arith.constant 0 : i32
      scf.yield %scan3A_162 : i32
    }
    %scan3A_68 = arith.constant 20 : i32
    %mul3A_69 = arith.constant 80 : i32
    %mul3A_70 = arith.muli %add3A, %mul3A_69 : i32
    %add3A_71 = arith.constant 40 : i32
    %add3A_72 = arith.addi %mul3A_70, %add3A_71 : i32
    %multiple_of3A_73 = tpu.assume_multiple %add3A_72, 8 : i32
    "tpu.region"() ({
      %run_scoped3A = tpu.sem_alloc : memref<!tpu.dma_semaphore, #tpu.memory_space<semaphore_mem>>
      %dma_start3A_114 = arith.constant 0 : i32
      %dma_start3A_115 = tpu.memref_slice %arg4[%multiple_of3A_73, %dma_start3A_114] : memref<2560x125xi32, #tpu.memory_space<hbm>> -> memref<40x125xi32, #tpu.memory_space<hbm>>
      %dma_start3A_116 = arith.constant 0 : i32
      %dma_start3A_117 = tpu.memref_slice %arg4[%multiple_of3A_73, %dma_start3A_116] : memref<2560x125xi32, #tpu.memory_space<hbm>> -> memref<40x125xi32, #tpu.memory_space<hbm>>
      tpu.enqueue_dma source(%dma_start3A_117 : memref<40x125xi32, #tpu.memory_space<hbm>>) target(%arg7 : memref<40x125xi32, #tpu.memory_space<vmem>>) target_semaphore(%run_scoped3A : memref<!tpu.dma_semaphore, #tpu.memory_space<semaphore_mem>>)
      %dma_wait3A_118 = arith.constant 0 : i32
      %dma_wait3A_119 = tpu.memref_slice %arg4[%multiple_of3A_73, %dma_wait3A_118] : memref<2560x125xi32, #tpu.memory_space<hbm>> -> memref<40x125xi32, #tpu.memory_space<hbm>>
      %dma_wait3A_120 = arith.constant 0 : i32
      %dma_wait3A_121 = tpu.memref_slice %arg4[%multiple_of3A_73, %dma_wait3A_120] : memref<2560x125xi32, #tpu.memory_space<hbm>> -> memref<40x125xi32, #tpu.memory_space<hbm>>
      tpu.wait_dma2 semaphore(%run_scoped3A : memref<!tpu.dma_semaphore, #tpu.memory_space<semaphore_mem>>) src(%dma_wait3A_121 : memref<40x125xi32, #tpu.memory_space<hbm>>) dst(%arg7 : memref<40x125xi32, #tpu.memory_space<vmem>>)
      tpu.yield
    }) : () -> ()
    "tpu.region"() ({
      %run_scoped3A = tpu.sem_alloc : memref<!tpu.dma_semaphore, #tpu.memory_space<semaphore_mem>>
      %dma_start3A_114 = arith.constant 0 : i32
      %dma_start3A_115 = tpu.memref_slice %arg3[%multiple_of3A_73, %dma_start3A_114] : memref<2560x125xi32, #tpu.memory_space<hbm>> -> memref<40x125xi32, #tpu.memory_space<hbm>>
      %dma_start3A_116 = arith.constant 0 : i32
      %dma_start3A_117 = tpu.memref_slice %arg3[%multiple_of3A_73, %dma_start3A_116] : memref<2560x125xi32, #tpu.memory_space<hbm>> -> memref<40x125xi32, #tpu.memory_space<hbm>>
      tpu.enqueue_dma source(%dma_start3A_117 : memref<40x125xi32, #tpu.memory_space<hbm>>) target(%arg8 : memref<40x125xi32, #tpu.memory_space<vmem>>) target_semaphore(%run_scoped3A : memref<!tpu.dma_semaphore, #tpu.memory_space<semaphore_mem>>)
      %dma_wait3A_118 = arith.constant 0 : i32
      %dma_wait3A_119 = tpu.memref_slice %arg3[%multiple_of3A_73, %dma_wait3A_118] : memref<2560x125xi32, #tpu.memory_space<hbm>> -> memref<40x125xi32, #tpu.memory_space<hbm>>
      %dma_wait3A_120 = arith.constant 0 : i32
      %dma_wait3A_121 = tpu.memref_slice %arg3[%multiple_of3A_73, %dma_wait3A_120] : memref<2560x125xi32, #tpu.memory_space<hbm>> -> memref<40x125xi32, #tpu.memory_space<hbm>>
      tpu.wait_dma2 semaphore(%run_scoped3A : memref<!tpu.dma_semaphore, #tpu.memory_space<semaphore_mem>>) src(%dma_wait3A_121 : memref<40x125xi32, #tpu.memory_space<hbm>>) dst(%arg8 : memref<40x125xi32, #tpu.memory_space<vmem>>)
      tpu.yield
    }) : () -> ()
    %dma_start3A_74 = arith.constant 0 : i32
    %dma_start3A_75 = arith.constant 0 : i32
    %dma_start3A_76 = arith.constant 0 : i32
    %dma_start3A_77 = arith.constant 0 : i32
    %dma_start3A_78 = tpu.memref_slice %arg9[%dma_start3A_75, %dma_start3A_76, %dma_start3A_77] : memref<2x125x128xf32, #tpu.memory_space<vmem>> -> memref<1x125x128xf32, #tpu.memory_space<vmem>>
    %dma_start3A_79 = tpu.memref_squeeze %dma_start3A_78 : memref<1x125x128xf32, #tpu.memory_space<vmem>> -> memref<125x128xf32, #tpu.memory_space<vmem>>
    %dma_start3A_80 = arith.constant 0 : i32
    %dma_start3A_81 = tpu.memref_slice %arg7[%dma_start3A_74, %dma_start3A_80] : memref<40x125xi32, #tpu.memory_space<vmem>> -> memref<1x125xi32, #tpu.memory_space<vmem>>
    %dma_start3A_82 = tpu.memref_squeeze %dma_start3A_81 : memref<1x125xi32, #tpu.memory_space<vmem>> -> memref<125xi32, #tpu.memory_space<vmem>>
    %dma_start3A_83 = arith.constant 0 : i32
    %dma_start3A_84 = arith.constant 0 : i32
    %dma_start3A_85 = tpu.memref_slice %arg2[%dma_start3A_83, %dma_start3A_84] : memref<20000x128xf32, #tpu.memory_space<hbm>> -> memref<20000x128xf32, #tpu.memory_space<hbm>>
    tpu.enqueue_indirect_dma source(%dma_start3A_85 : memref<20000x128xf32, #tpu.memory_space<hbm>>) target(%dma_start3A_79 : memref<125x128xf32, #tpu.memory_space<vmem>>) offsets(%dma_start3A_82 : memref<125xi32, #tpu.memory_space<vmem>>) semaphore(%arg11 : memref<!tpu.dma_semaphore, #tpu.memory_space<semaphore_mem>>)
    %dma_start3A_86 = arith.constant 1 : i32
    %dma_start3A_87 = arith.constant 1 : i32
    %dma_start3A_88 = arith.constant 0 : i32
    %dma_start3A_89 = arith.constant 0 : i32
    %dma_start3A_90 = tpu.memref_slice %arg9[%dma_start3A_87, %dma_start3A_88, %dma_start3A_89] : memref<2x125x128xf32, #tpu.memory_space<vmem>> -> memref<1x125x128xf32, #tpu.memory_space<vmem>>
    %dma_start3A_91 = tpu.memref_squeeze %dma_start3A_90 : memref<1x125x128xf32, #tpu.memory_space<vmem>> -> memref<125x128xf32, #tpu.memory_space<vmem>>
    %dma_start3A_92 = arith.constant 0 : i32
    %dma_start3A_93 = tpu.memref_slice %arg7[%dma_start3A_86, %dma_start3A_92] : memref<40x125xi32, #tpu.memory_space<vmem>> -> memref<1x125xi32, #tpu.memory_space<vmem>>
    %dma_start3A_94 = tpu.memref_squeeze %dma_start3A_93 : memref<1x125xi32, #tpu.memory_space<vmem>> -> memref<125xi32, #tpu.memory_space<vmem>>
    %dma_start3A_95 = arith.constant 0 : i32
    %dma_start3A_96 = arith.constant 0 : i32
    %dma_start3A_97 = tpu.memref_slice %arg2[%dma_start3A_95, %dma_start3A_96] : memref<20000x128xf32, #tpu.memory_space<hbm>> -> memref<20000x128xf32, #tpu.memory_space<hbm>>
    tpu.enqueue_indirect_dma source(%dma_start3A_97 : memref<20000x128xf32, #tpu.memory_space<hbm>>) target(%dma_start3A_91 : memref<125x128xf32, #tpu.memory_space<vmem>>) offsets(%dma_start3A_94 : memref<125xi32, #tpu.memory_space<vmem>>) semaphore(%arg11 : memref<!tpu.dma_semaphore, #tpu.memory_space<semaphore_mem>>)
    %scan3A_98 = arith.constant 0 : i32
    %scan3A_99 = arith.constant 0 : i32
    %scan3A_100 = arith.constant 20 : i32
    %scan3A_101 = arith.addi %scan3A_99, %scan3A_100 : i32
    %scan3A_102 = arith.constant 1 : i32
    %scan3A_103 = scf.for %scan3A_114 = %scan3A_99 to %scan3A_101 step %scan3A_102 iter_args(%scan3A_115 = %scan3A_98) -> (i32)  : i32 {
      %mul3A_116 = arith.constant 2 : i32
      %mul3A_117 = arith.muli %scan3A_114, %mul3A_116 : i32
      %add3A_118 = arith.constant 0 : i32
      %add3A_119 = arith.addi %mul3A_117, %add3A_118 : i32
      %dma_wait3A_120 = arith.constant 0 : i32
      %dma_wait3A_121 = arith.constant 0 : i32
      %dma_wait3A_122 = arith.constant 0 : i32
      %dma_wait3A_123 = arith.constant 0 : i32
      %dma_wait3A_124 = tpu.memref_slice %arg9[%dma_wait3A_121, %dma_wait3A_122, %dma_wait3A_123] : memref<2x125x128xf32, #tpu.memory_space<vmem>> -> memref<1x125x128xf32, #tpu.memory_space<vmem>>
      %dma_wait3A_125 = tpu.memref_squeeze %dma_wait3A_124 : memref<1x125x128xf32, #tpu.memory_space<vmem>> -> memref<125x128xf32, #tpu.memory_space<vmem>>
      %dma_wait3A_126 = arith.constant 0 : i32
      %dma_wait3A_127 = tpu.memref_slice %arg7[%dma_wait3A_120, %dma_wait3A_126] : memref<40x125xi32, #tpu.memory_space<vmem>> -> memref<1x125xi32, #tpu.memory_space<vmem>>
      %dma_wait3A_128 = tpu.memref_squeeze %dma_wait3A_127 : memref<1x125xi32, #tpu.memory_space<vmem>> -> memref<125xi32, #tpu.memory_space<vmem>>
      %dma_wait3A_129 = arith.constant 0 : i32
      %dma_wait3A_130 = arith.constant 0 : i32
      %dma_wait3A_131 = tpu.memref_slice %arg2[%dma_wait3A_129, %dma_wait3A_130] : memref<20000x128xf32, #tpu.memory_space<hbm>> -> memref<20000x128xf32, #tpu.memory_space<hbm>>
      tpu.wait_indirect_dma semaphore(%arg11 : memref<!tpu.dma_semaphore, #tpu.memory_space<semaphore_mem>>) src(%dma_wait3A_131 : memref<20000x128xf32, #tpu.memory_space<hbm>>) dst(%dma_wait3A_125 : memref<125x128xf32, #tpu.memory_space<vmem>>)
      %run_scoped3A = arith.constant 0 : i32
      "tpu.region"() ({
        %run_scoped3A_163 = tpu.sem_alloc : memref<!tpu.dma_semaphore, #tpu.memory_space<semaphore_mem>>
        %dma_start3A_164 = arith.constant 0 : i32
        %dma_start3A_165 = arith.constant 0 : i32
        %dma_start3A_166 = tpu.memref_slice %arg9[%run_scoped3A, %dma_start3A_164, %dma_start3A_165] : memref<2x125x128xf32, #tpu.memory_space<vmem>> -> memref<1x125x128xf32, #tpu.memory_space<vmem>>
        %dma_start3A_167 = tpu.memref_squeeze %dma_start3A_166 : memref<1x125x128xf32, #tpu.memory_space<vmem>> -> memref<125x128xf32, #tpu.memory_space<vmem>>
        %dma_start3A_168 = arith.constant 0 : i32
        %dma_start3A_169 = tpu.memref_slice %arg8[%add3A_119, %dma_start3A_168] : memref<40x125xi32, #tpu.memory_space<vmem>> -> memref<1x125xi32, #tpu.memory_space<vmem>>
        %dma_start3A_170 = tpu.memref_squeeze %dma_start3A_169 : memref<1x125xi32, #tpu.memory_space<vmem>> -> memref<125xi32, #tpu.memory_space<vmem>>
        %dma_start3A_171 = arith.constant 0 : i32
        %dma_start3A_172 = arith.constant 0 : i32
        %dma_start3A_173 = tpu.memref_slice %arg10[%dma_start3A_171, %dma_start3A_172] : memref<10000x128xf32, #tpu.memory_space<vmem_shared>> -> memref<10000x128xf32, #tpu.memory_space<vmem_shared>>
        tpu.enqueue_indirect_dma source(%dma_start3A_167 : memref<125x128xf32, #tpu.memory_space<vmem>>) target(%dma_start3A_173 : memref<10000x128xf32, #tpu.memory_space<vmem_shared>>) offsets(%dma_start3A_170 : memref<125xi32, #tpu.memory_space<vmem>>) semaphore(%run_scoped3A_163 : memref<!tpu.dma_semaphore, #tpu.memory_space<semaphore_mem>>) {add = true}
        %dma_wait3A_174 = arith.constant 0 : i32
        %dma_wait3A_175 = arith.constant 0 : i32
        %dma_wait3A_176 = tpu.memref_slice %arg9[%run_scoped3A, %dma_wait3A_174, %dma_wait3A_175] : memref<2x125x128xf32, #tpu.memory_space<vmem>> -> memref<1x125x128xf32, #tpu.memory_space<vmem>>
        %dma_wait3A_177 = tpu.memref_squeeze %dma_wait3A_176 : memref<1x125x128xf32, #tpu.memory_space<vmem>> -> memref<125x128xf32, #tpu.memory_space<vmem>>
        %dma_wait3A_178 = arith.constant 0 : i32
        %dma_wait3A_179 = tpu.memref_slice %arg8[%add3A_119, %dma_wait3A_178] : memref<40x125xi32, #tpu.memory_space<vmem>> -> memref<1x125xi32, #tpu.memory_space<vmem>>
        %dma_wait3A_180 = tpu.memref_squeeze %dma_wait3A_179 : memref<1x125xi32, #tpu.memory_space<vmem>> -> memref<125xi32, #tpu.memory_space<vmem>>
        %dma_wait3A_181 = arith.constant 0 : i32
        %dma_wait3A_182 = arith.constant 0 : i32
        %dma_wait3A_183 = tpu.memref_slice %arg10[%dma_wait3A_181, %dma_wait3A_182] : memref<10000x128xf32, #tpu.memory_space<vmem_shared>> -> memref<10000x128xf32, #tpu.memory_space<vmem_shared>>
        tpu.wait_indirect_dma semaphore(%run_scoped3A_163 : memref<!tpu.dma_semaphore, #tpu.memory_space<semaphore_mem>>) src(%dma_wait3A_177 : memref<125x128xf32, #tpu.memory_space<vmem>>) dst(%dma_wait3A_183 : memref<10000x128xf32, #tpu.memory_space<vmem_shared>>)
        tpu.yield
      }) : () -> ()
      %add3A_132 = arith.constant 2 : i32
      %add3A_133 = arith.addi %add3A_119, %add3A_132 : i32
      %lt3A = arith.constant 40 : i32
      %lt3A_134 = arith.cmpi slt, %add3A_133, %lt3A : i32
      %convert_element_type3A_135 = arith.extui %lt3A_134 : i1 to i32
      %cond3A_136 = arith.constant 0 : i32
      %cond3A_137 = arith.cmpi ne, %convert_element_type3A_135, %cond3A_136 : i32
      scf.if %cond3A_137 {
        %add3A_163 = arith.constant 2 : i32
        %add3A_164 = arith.addi %add3A_119, %add3A_163 : i32
        %dma_start3A_165 = arith.constant 0 : i32
        %dma_start3A_166 = arith.constant 0 : i32
        %dma_start3A_167 = arith.constant 0 : i32
        %dma_start3A_168 = tpu.memref_slice %arg9[%dma_start3A_165, %dma_start3A_166, %dma_start3A_167] : memref<2x125x128xf32, #tpu.memory_space<vmem>> -> memref<1x125x128xf32, #tpu.memory_space<vmem>>
        %dma_start3A_169 = tpu.memref_squeeze %dma_start3A_168 : memref<1x125x128xf32, #tpu.memory_space<vmem>> -> memref<125x128xf32, #tpu.memory_space<vmem>>
        %dma_start3A_170 = arith.constant 0 : i32
        %dma_start3A_171 = tpu.memref_slice %arg7[%add3A_164, %dma_start3A_170] : memref<40x125xi32, #tpu.memory_space<vmem>> -> memref<1x125xi32, #tpu.memory_space<vmem>>
        %dma_start3A_172 = tpu.memref_squeeze %dma_start3A_171 : memref<1x125xi32, #tpu.memory_space<vmem>> -> memref<125xi32, #tpu.memory_space<vmem>>
        %dma_start3A_173 = arith.constant 0 : i32
        %dma_start3A_174 = arith.constant 0 : i32
        %dma_start3A_175 = tpu.memref_slice %arg2[%dma_start3A_173, %dma_start3A_174] : memref<20000x128xf32, #tpu.memory_space<hbm>> -> memref<20000x128xf32, #tpu.memory_space<hbm>>
        tpu.enqueue_indirect_dma source(%dma_start3A_175 : memref<20000x128xf32, #tpu.memory_space<hbm>>) target(%dma_start3A_169 : memref<125x128xf32, #tpu.memory_space<vmem>>) offsets(%dma_start3A_172 : memref<125xi32, #tpu.memory_space<vmem>>) semaphore(%arg11 : memref<!tpu.dma_semaphore, #tpu.memory_space<semaphore_mem>>)
      } else {
      }
      %mul3A_138 = arith.constant 2 : i32
      %mul3A_139 = arith.muli %scan3A_114, %mul3A_138 : i32
      %add3A_140 = arith.constant 1 : i32
      %add3A_141 = arith.addi %mul3A_139, %add3A_140 : i32
      %dma_wait3A_142 = arith.constant 0 : i32
      %dma_wait3A_143 = arith.constant 1 : i32
      %dma_wait3A_144 = arith.constant 0 : i32
      %dma_wait3A_145 = arith.constant 0 : i32
      %dma_wait3A_146 = tpu.memref_slice %arg9[%dma_wait3A_143, %dma_wait3A_144, %dma_wait3A_145] : memref<2x125x128xf32, #tpu.memory_space<vmem>> -> memref<1x125x128xf32, #tpu.memory_space<vmem>>
      %dma_wait3A_147 = tpu.memref_squeeze %dma_wait3A_146 : memref<1x125x128xf32, #tpu.memory_space<vmem>> -> memref<125x128xf32, #tpu.memory_space<vmem>>
      %dma_wait3A_148 = arith.constant 0 : i32
      %dma_wait3A_149 = tpu.memref_slice %arg7[%dma_wait3A_142, %dma_wait3A_148] : memref<40x125xi32, #tpu.memory_space<vmem>> -> memref<1x125xi32, #tpu.memory_space<vmem>>
      %dma_wait3A_150 = tpu.memref_squeeze %dma_wait3A_149 : memref<1x125xi32, #tpu.memory_space<vmem>> -> memref<125xi32, #tpu.memory_space<vmem>>
      %dma_wait3A_151 = arith.constant 0 : i32
      %dma_wait3A_152 = arith.constant 0 : i32
      %dma_wait3A_153 = tpu.memref_slice %arg2[%dma_wait3A_151, %dma_wait3A_152] : memref<20000x128xf32, #tpu.memory_space<hbm>> -> memref<20000x128xf32, #tpu.memory_space<hbm>>
      tpu.wait_indirect_dma semaphore(%arg11 : memref<!tpu.dma_semaphore, #tpu.memory_space<semaphore_mem>>) src(%dma_wait3A_153 : memref<20000x128xf32, #tpu.memory_space<hbm>>) dst(%dma_wait3A_147 : memref<125x128xf32, #tpu.memory_space<vmem>>)
      %run_scoped3A_154 = arith.constant 1 : i32
      "tpu.region"() ({
        %run_scoped3A_163 = tpu.sem_alloc : memref<!tpu.dma_semaphore, #tpu.memory_space<semaphore_mem>>
        %dma_start3A_164 = arith.constant 0 : i32
        %dma_start3A_165 = arith.constant 0 : i32
        %dma_start3A_166 = tpu.memref_slice %arg9[%run_scoped3A_154, %dma_start3A_164, %dma_start3A_165] : memref<2x125x128xf32, #tpu.memory_space<vmem>> -> memref<1x125x128xf32, #tpu.memory_space<vmem>>
        %dma_start3A_167 = tpu.memref_squeeze %dma_start3A_166 : memref<1x125x128xf32, #tpu.memory_space<vmem>> -> memref<125x128xf32, #tpu.memory_space<vmem>>
        %dma_start3A_168 = arith.constant 0 : i32
        %dma_start3A_169 = tpu.memref_slice %arg8[%add3A_141, %dma_start3A_168] : memref<40x125xi32, #tpu.memory_space<vmem>> -> memref<1x125xi32, #tpu.memory_space<vmem>>
        %dma_start3A_170 = tpu.memref_squeeze %dma_start3A_169 : memref<1x125xi32, #tpu.memory_space<vmem>> -> memref<125xi32, #tpu.memory_space<vmem>>
        %dma_start3A_171 = arith.constant 0 : i32
        %dma_start3A_172 = arith.constant 0 : i32
        %dma_start3A_173 = tpu.memref_slice %arg10[%dma_start3A_171, %dma_start3A_172] : memref<10000x128xf32, #tpu.memory_space<vmem_shared>> -> memref<10000x128xf32, #tpu.memory_space<vmem_shared>>
        tpu.enqueue_indirect_dma source(%dma_start3A_167 : memref<125x128xf32, #tpu.memory_space<vmem>>) target(%dma_start3A_173 : memref<10000x128xf32, #tpu.memory_space<vmem_shared>>) offsets(%dma_start3A_170 : memref<125xi32, #tpu.memory_space<vmem>>) semaphore(%run_scoped3A_163 : memref<!tpu.dma_semaphore, #tpu.memory_space<semaphore_mem>>) {add = true}
        %dma_wait3A_174 = arith.constant 0 : i32
        %dma_wait3A_175 = arith.constant 0 : i32
        %dma_wait3A_176 = tpu.memref_slice %arg9[%run_scoped3A_154, %dma_wait3A_174, %dma_wait3A_175] : memref<2x125x128xf32, #tpu.memory_space<vmem>> -> memref<1x125x128xf32, #tpu.memory_space<vmem>>
        %dma_wait3A_177 = tpu.memref_squeeze %dma_wait3A_176 : memref<1x125x128xf32, #tpu.memory_space<vmem>> -> memref<125x128xf32, #tpu.memory_space<vmem>>
        %dma_wait3A_178 = arith.constant 0 : i32
        %dma_wait3A_179 = tpu.memref_slice %arg8[%add3A_141, %dma_wait3A_178] : memref<40x125xi32, #tpu.memory_space<vmem>> -> memref<1x125xi32, #tpu.memory_space<vmem>>
        %dma_wait3A_180 = tpu.memref_squeeze %dma_wait3A_179 : memref<1x125xi32, #tpu.memory_space<vmem>> -> memref<125xi32, #tpu.memory_space<vmem>>
        %dma_wait3A_181 = arith.constant 0 : i32
        %dma_wait3A_182 = arith.constant 0 : i32
        %dma_wait3A_183 = tpu.memref_slice %arg10[%dma_wait3A_181, %dma_wait3A_182] : memref<10000x128xf32, #tpu.memory_space<vmem_shared>> -> memref<10000x128xf32, #tpu.memory_space<vmem_shared>>
        tpu.wait_indirect_dma semaphore(%run_scoped3A_163 : memref<!tpu.dma_semaphore, #tpu.memory_space<semaphore_mem>>) src(%dma_wait3A_177 : memref<125x128xf32, #tpu.memory_space<vmem>>) dst(%dma_wait3A_183 : memref<10000x128xf32, #tpu.memory_space<vmem_shared>>)
        tpu.yield
      }) : () -> ()
      %add3A_155 = arith.constant 2 : i32
      %add3A_156 = arith.addi %add3A_141, %add3A_155 : i32
      %lt3A_157 = arith.constant 40 : i32
      %lt3A_158 = arith.cmpi slt, %add3A_156, %lt3A_157 : i32
      %convert_element_type3A_159 = arith.extui %lt3A_158 : i1 to i32
      %cond3A_160 = arith.constant 0 : i32
      %cond3A_161 = arith.cmpi ne, %convert_element_type3A_159, %cond3A_160 : i32
      scf.if %cond3A_161 {
        %add3A_163 = arith.constant 2 : i32
        %add3A_164 = arith.addi %add3A_141, %add3A_163 : i32
        %dma_start3A_165 = arith.constant 1 : i32
        %dma_start3A_166 = arith.constant 0 : i32
        %dma_start3A_167 = arith.constant 0 : i32
        %dma_start3A_168 = tpu.memref_slice %arg9[%dma_start3A_165, %dma_start3A_166, %dma_start3A_167] : memref<2x125x128xf32, #tpu.memory_space<vmem>> -> memref<1x125x128xf32, #tpu.memory_space<vmem>>
        %dma_start3A_169 = tpu.memref_squeeze %dma_start3A_168 : memref<1x125x128xf32, #tpu.memory_space<vmem>> -> memref<125x128xf32, #tpu.memory_space<vmem>>
        %dma_start3A_170 = arith.constant 0 : i32
        %dma_start3A_171 = tpu.memref_slice %arg7[%add3A_164, %dma_start3A_170] : memref<40x125xi32, #tpu.memory_space<vmem>> -> memref<1x125xi32, #tpu.memory_space<vmem>>
        %dma_start3A_172 = tpu.memref_squeeze %dma_start3A_171 : memref<1x125xi32, #tpu.memory_space<vmem>> -> memref<125xi32, #tpu.memory_space<vmem>>
        %dma_start3A_173 = arith.constant 0 : i32
        %dma_start3A_174 = arith.constant 0 : i32
        %dma_start3A_175 = tpu.memref_slice %arg2[%dma_start3A_173, %dma_start3A_174] : memref<20000x128xf32, #tpu.memory_space<hbm>> -> memref<20000x128xf32, #tpu.memory_space<hbm>>
        tpu.enqueue_indirect_dma source(%dma_start3A_175 : memref<20000x128xf32, #tpu.memory_space<hbm>>) target(%dma_start3A_169 : memref<125x128xf32, #tpu.memory_space<vmem>>) offsets(%dma_start3A_172 : memref<125xi32, #tpu.memory_space<vmem>>) semaphore(%arg11 : memref<!tpu.dma_semaphore, #tpu.memory_space<semaphore_mem>>)
      } else {
      }
      %scan3A_162 = arith.constant 0 : i32
      scf.yield %scan3A_162 : i32
    }
    %scan3A_104 = arith.constant 20 : i32
    %barrier3A_105 = arith.constant 0 : index
    tpu.barrier barrier_id(%barrier3A_105)
    %mul3A_106 = arith.constant 10000 : i32
    %mul3A_107 = arith.muli %arg0, %mul3A_106 : i32
    %add3A_108 = arith.addi %mul3A_107, %mul3A_11 : i32
    "tpu.region"() ({
      %run_scoped3A = tpu.sem_alloc : memref<!tpu.dma_semaphore, #tpu.memory_space<semaphore_mem>>
      %dma_start3A_114 = arith.constant 0 : i32
      %dma_start3A_115 = tpu.memref_slice %arg6[%add3A_108, %dma_start3A_114] : memref<20000x128xf32, #tpu.memory_space<hbm>> -> memref<624x128xf32, #tpu.memory_space<hbm>>
      %dma_start3A_116 = arith.constant 0 : i32
      %dma_start3A_117 = tpu.memref_slice %arg10[%mul3A_11, %dma_start3A_116] : memref<10000x128xf32, #tpu.memory_space<vmem_shared>> -> memref<624x128xf32, #tpu.memory_space<vmem_shared>>
      tpu.enqueue_dma source(%dma_start3A_117 : memref<624x128xf32, #tpu.memory_space<vmem_shared>>) target(%dma_start3A_115 : memref<624x128xf32, #tpu.memory_space<hbm>>) target_semaphore(%run_scoped3A : memref<!tpu.dma_semaphore, #tpu.memory_space<semaphore_mem>>)
      %dma_wait3A_118 = arith.constant 0 : i32
      %dma_wait3A_119 = tpu.memref_slice %arg6[%add3A_108, %dma_wait3A_118] : memref<20000x128xf32, #tpu.memory_space<hbm>> -> memref<624x128xf32, #tpu.memory_space<hbm>>
      %dma_wait3A_120 = arith.constant 0 : i32
      %dma_wait3A_121 = tpu.memref_slice %arg10[%mul3A_11, %dma_wait3A_120] : memref<10000x128xf32, #tpu.memory_space<vmem_shared>> -> memref<624x128xf32, #tpu.memory_space<vmem_shared>>
      tpu.wait_dma2 semaphore(%run_scoped3A : memref<!tpu.dma_semaphore, #tpu.memory_space<semaphore_mem>>) src(%dma_wait3A_121 : memref<624x128xf32, #tpu.memory_space<vmem_shared>>) dst(%dma_wait3A_119 : memref<624x128xf32, #tpu.memory_space<hbm>>)
      tpu.yield
    }) : () -> ()
    %eq3A_109 = arith.constant 15 : i32
    %eq3A_110 = arith.cmpi eq, %arg1, %eq3A_109 : i32
    %convert_element_type3A_111 = arith.extui %eq3A_110 : i1 to i32
    %cond3A_112 = arith.constant 0 : i32
    %cond3A_113 = arith.cmpi ne, %convert_element_type3A_111, %cond3A_112 : i32
    scf.if %cond3A_113 {
      %mul3A_114 = arith.constant 10000 : i32
      %mul3A_115 = arith.muli %arg0, %mul3A_114 : i32
      %add3A_116 = arith.constant 9984 : i32
      %add3A_117 = arith.addi %mul3A_115, %add3A_116 : i32
      "tpu.region"() ({
        %run_scoped3A = tpu.sem_alloc : memref<!tpu.dma_semaphore, #tpu.memory_space<semaphore_mem>>
        %dma_start3A_118 = arith.constant 0 : i32
        %dma_start3A_119 = tpu.memref_slice %arg6[%add3A_117, %dma_start3A_118] : memref<20000x128xf32, #tpu.memory_space<hbm>> -> memref<16x128xf32, #tpu.memory_space<hbm>>
        %dma_start3A_120 = arith.constant 9984 : i32
        %dma_start3A_121 = arith.constant 0 : i32
        %dma_start3A_122 = tpu.memref_slice %arg10[%dma_start3A_120, %dma_start3A_121] : memref<10000x128xf32, #tpu.memory_space<vmem_shared>> -> memref<16x128xf32, #tpu.memory_space<vmem_shared>>
        tpu.enqueue_dma source(%dma_start3A_122 : memref<16x128xf32, #tpu.memory_space<vmem_shared>>) target(%dma_start3A_119 : memref<16x128xf32, #tpu.memory_space<hbm>>) target_semaphore(%run_scoped3A : memref<!tpu.dma_semaphore, #tpu.memory_space<semaphore_mem>>)
        %dma_wait3A_123 = arith.constant 0 : i32
        %dma_wait3A_124 = tpu.memref_slice %arg6[%add3A_117, %dma_wait3A_123] : memref<20000x128xf32, #tpu.memory_space<hbm>> -> memref<16x128xf32, #tpu.memory_space<hbm>>
        %dma_wait3A_125 = arith.constant 9984 : i32
        %dma_wait3A_126 = arith.constant 0 : i32
        %dma_wait3A_127 = tpu.memref_slice %arg10[%dma_wait3A_125, %dma_wait3A_126] : memref<10000x128xf32, #tpu.memory_space<vmem_shared>> -> memref<16x128xf32, #tpu.memory_space<vmem_shared>>
        tpu.wait_dma2 semaphore(%run_scoped3A : memref<!tpu.dma_semaphore, #tpu.memory_space<semaphore_mem>>) src(%dma_wait3A_127 : memref<16x128xf32, #tpu.memory_space<vmem_shared>>) dst(%dma_wait3A_124 : memref<16x128xf32, #tpu.memory_space<hbm>>)
        tpu.yield
      }) : () -> ()
    } else {
    }
    return
  }
}

#map = affine_map<(d0, d1) -> (0, 0)>
module attributes {stable_mosaic.version = 14 : i64} {
  func.func @spmm_kernel(%arg0: i32, %arg1: i32, %arg2: memref<20000x128xf32, #tpu.memory_space<hbm>>, %arg3: memref<2560x125xi32, #tpu.memory_space<hbm>>, %arg4: memref<2560x125xi32, #tpu.memory_space<hbm>>, %arg5: memref<10000x128xf32, #tpu.memory_space<hbm>>, %arg6: memref<20000x128xf32, #tpu.memory_space<hbm>>, %arg7: memref<40x125xi32, #tpu.memory_space<vmem>>, %arg8: memref<40x125xi32, #tpu.memory_space<vmem>>, %arg9: memref<2x125x128xf32, #tpu.memory_space<vmem>>, %arg10: memref<10000x128xf32, #tpu.memory_space<vmem_shared>>, %arg11: memref<!tpu.dma_semaphore, #tpu.memory_space<semaphore_mem>>, %arg12: memref<!tpu.dma_semaphore, #tpu.memory_space<semaphore_mem>>) attributes {dimension_semantics = [#tpu.dimension_semantics<core_parallel>, #tpu.dimension_semantics<subcore_parallel>], iteration_bounds = array<i64: 2, 16>, scalar_prefetch = 0 : i64, scratch_operands = 6 : i64, tpu.core_type = #tpu.core_type<sc_vector_subcore>, window_params = [{transform_indices = #map}, {transform_indices = #map}, {transform_indices = #map}, {transform_indices = #map}, {transform_indices = #map}]} {
    %mul3A = arith.constant 16 : i32
    %mul3A_0 = arith.muli %arg0, %mul3A : i32
    %add3A = arith.addi %mul3A_0, %arg1 : i32
    %mul3A_1 = arith.constant 80 : i32
    %mul3A_2 = arith.muli %add3A, %mul3A_1 : i32
    %multiple_of3A = tpu.assume_multiple %mul3A_2, 8 : i32
    %dma_start3A = arith.constant 0 : i32
    %dma_start3A_3 = tpu.memref_slice %arg4[%multiple_of3A, %dma_start3A] : memref<2560x125xi32, #tpu.memory_space<hbm>> -> memref<40x125xi32, #tpu.memory_space<hbm>>
    %dma_start3A_4 = arith.constant 0 : i32
    %dma_start3A_5 = tpu.memref_slice %arg4[%multiple_of3A, %dma_start3A_4] : memref<2560x125xi32, #tpu.memory_space<hbm>> -> memref<40x125xi32, #tpu.memory_space<hbm>>
    tpu.enqueue_dma source(%dma_start3A_5 : memref<40x125xi32, #tpu.memory_space<hbm>>) target(%arg7 : memref<40x125xi32, #tpu.memory_space<vmem>>) target_semaphore(%arg11 : memref<!tpu.dma_semaphore, #tpu.memory_space<semaphore_mem>>)
    %dma_start3A_6 = arith.constant 0 : i32
    %dma_start3A_7 = tpu.memref_slice %arg3[%multiple_of3A, %dma_start3A_6] : memref<2560x125xi32, #tpu.memory_space<hbm>> -> memref<40x125xi32, #tpu.memory_space<hbm>>
    %dma_start3A_8 = arith.constant 0 : i32
    %dma_start3A_9 = tpu.memref_slice %arg3[%multiple_of3A, %dma_start3A_8] : memref<2560x125xi32, #tpu.memory_space<hbm>> -> memref<40x125xi32, #tpu.memory_space<hbm>>
    tpu.enqueue_dma source(%dma_start3A_9 : memref<40x125xi32, #tpu.memory_space<hbm>>) target(%arg8 : memref<40x125xi32, #tpu.memory_space<vmem>>) target_semaphore(%arg11 : memref<!tpu.dma_semaphore, #tpu.memory_space<semaphore_mem>>)
    %mul3A_10 = arith.constant 624 : i32
    %mul3A_11 = arith.muli %arg1, %mul3A_10 : i32
    %dma_start3A_12 = arith.constant 0 : i32
    %dma_start3A_13 = tpu.memref_slice %arg10[%mul3A_11, %dma_start3A_12] : memref<10000x128xf32, #tpu.memory_space<vmem_shared>> -> memref<624x128xf32, #tpu.memory_space<vmem_shared>>
    %dma_start3A_14 = arith.constant 0 : i32
    %dma_start3A_15 = tpu.memref_slice %arg5[%mul3A_11, %dma_start3A_14] : memref<10000x128xf32, #tpu.memory_space<hbm>> -> memref<624x128xf32, #tpu.memory_space<hbm>>
    tpu.enqueue_dma source(%dma_start3A_15 : memref<624x128xf32, #tpu.memory_space<hbm>>) target(%dma_start3A_13 : memref<624x128xf32, #tpu.memory_space<vmem_shared>>) target_semaphore(%arg12 : memref<!tpu.dma_semaphore, #tpu.memory_space<semaphore_mem>>)
    %eq3A = arith.constant 15 : i32
    %eq3A_16 = arith.cmpi eq, %arg1, %eq3A : i32
    %convert_element_type3A = arith.extui %eq3A_16 : i1 to i32
    %cond3A = arith.constant 0 : i32
    %cond3A_17 = arith.cmpi ne, %convert_element_type3A, %cond3A : i32
    scf.if %cond3A_17 {
      %dma_start3A_114 = arith.constant 9984 : i32
      %dma_start3A_115 = arith.constant 0 : i32
      %dma_start3A_116 = tpu.memref_slice %arg10[%dma_start3A_114, %dma_start3A_115] : memref<10000x128xf32, #tpu.memory_space<vmem_shared>> -> memref<16x128xf32, #tpu.memory_space<vmem_shared>>
      %dma_start3A_117 = arith.constant 9984 : i32
      %dma_start3A_118 = arith.constant 0 : i32
      %dma_start3A_119 = tpu.memref_slice %arg5[%dma_start3A_117, %dma_start3A_118] : memref<10000x128xf32, #tpu.memory_space<hbm>> -> memref<16x128xf32, #tpu.memory_space<hbm>>
      tpu.enqueue_dma source(%dma_start3A_119 : memref<16x128xf32, #tpu.memory_space<hbm>>) target(%dma_start3A_116 : memref<16x128xf32, #tpu.memory_space<vmem_shared>>) target_semaphore(%arg12 : memref<!tpu.dma_semaphore, #tpu.memory_space<semaphore_mem>>)
    } else {
    }
    %dma_wait3A = arith.constant 0 : i32
    %dma_wait3A_18 = tpu.memref_slice %arg4[%multiple_of3A, %dma_wait3A] : memref<2560x125xi32, #tpu.memory_space<hbm>> -> memref<40x125xi32, #tpu.memory_space<hbm>>
    %dma_wait3A_19 = arith.constant 0 : i32
    %dma_wait3A_20 = tpu.memref_slice %arg4[%multiple_of3A, %dma_wait3A_19] : memref<2560x125xi32, #tpu.memory_space<hbm>> -> memref<40x125xi32, #tpu.memory_space<hbm>>
    tpu.wait_dma2 semaphore(%arg11 : memref<!tpu.dma_semaphore, #tpu.memory_space<semaphore_mem>>) src(%dma_wait3A_20 : memref<40x125xi32, #tpu.memory_space<hbm>>) dst(%arg7 : memref<40x125xi32, #tpu.memory_space<vmem>>)
    %dma_wait3A_21 = arith.constant 0 : i32
    %dma_wait3A_22 = tpu.memref_slice %arg3[%multiple_of3A, %dma_wait3A_21] : memref<2560x125xi32, #tpu.memory_space<hbm>> -> memref<40x125xi32, #tpu.memory_space<hbm>>
    %dma_wait3A_23 = arith.constant 0 : i32
    %dma_wait3A_24 = tpu.memref_slice %arg3[%multiple_of3A, %dma_wait3A_23] : memref<2560x125xi32, #tpu.memory_space<hbm>> -> memref<40x125xi32, #tpu.memory_space<hbm>>
    tpu.wait_dma2 semaphore(%arg11 : memref<!tpu.dma_semaphore, #tpu.memory_space<semaphore_mem>>) src(%dma_wait3A_24 : memref<40x125xi32, #tpu.memory_space<hbm>>) dst(%arg8 : memref<40x125xi32, #tpu.memory_space<vmem>>)
    %dma_start3A_25 = arith.constant 0 : i32
    %dma_start3A_26 = arith.constant 0 : i32
    %dma_start3A_27 = arith.constant 0 : i32
    %dma_start3A_28 = arith.constant 0 : i32
    %dma_start3A_29 = tpu.memref_slice %arg9[%dma_start3A_26, %dma_start3A_27, %dma_start3A_28] : memref<2x125x128xf32, #tpu.memory_space<vmem>> -> memref<1x125x128xf32, #tpu.memory_space<vmem>>
    %dma_start3A_30 = tpu.memref_squeeze %dma_start3A_29 : memref<1x125x128xf32, #tpu.memory_space<vmem>> -> memref<125x128xf32, #tpu.memory_space<vmem>>
    %dma_start3A_31 = arith.constant 0 : i32
    %dma_start3A_32 = tpu.memref_slice %arg7[%dma_start3A_25, %dma_start3A_31] : memref<40x125xi32, #tpu.memory_space<vmem>> -> memref<1x125xi32, #tpu.memory_space<vmem>>
    %dma_start3A_33 = tpu.memref_squeeze %dma_start3A_32 : memref<1x125xi32, #tpu.memory_space<vmem>> -> memref<125xi32, #tpu.memory_space<vmem>>
    %dma_start3A_34 = arith.constant 0 : i32
    %dma_start3A_35 = arith.constant 0 : i32
    %dma_start3A_36 = tpu.memref_slice %arg2[%dma_start3A_34, %dma_start3A_35] : memref<20000x128xf32, #tpu.memory_space<hbm>> -> memref<20000x128xf32, #tpu.memory_space<hbm>>
    tpu.enqueue_indirect_dma source(%dma_start3A_36 : memref<20000x128xf32, #tpu.memory_space<hbm>>) target(%dma_start3A_30 : memref<125x128xf32, #tpu.memory_space<vmem>>) offsets(%dma_start3A_33 : memref<125xi32, #tpu.memory_space<vmem>>) semaphore(%arg11 : memref<!tpu.dma_semaphore, #tpu.memory_space<semaphore_mem>>)
    %dma_start3A_37 = arith.constant 1 : i32
    %dma_start3A_38 = arith.constant 1 : i32
    %dma_start3A_39 = arith.constant 0 : i32
    %dma_start3A_40 = arith.constant 0 : i32
    %dma_start3A_41 = tpu.memref_slice %arg9[%dma_start3A_38, %dma_start3A_39, %dma_start3A_40] : memref<2x125x128xf32, #tpu.memory_space<vmem>> -> memref<1x125x128xf32, #tpu.memory_space<vmem>>
    %dma_start3A_42 = tpu.memref_squeeze %dma_start3A_41 : memref<1x125x128xf32, #tpu.memory_space<vmem>> -> memref<125x128xf32, #tpu.memory_space<vmem>>
    %dma_start3A_43 = arith.constant 0 : i32
    %dma_start3A_44 = tpu.memref_slice %arg7[%dma_start3A_37, %dma_start3A_43] : memref<40x125xi32, #tpu.memory_space<vmem>> -> memref<1x125xi32, #tpu.memory_space<vmem>>
    %dma_start3A_45 = tpu.memref_squeeze %dma_start3A_44 : memref<1x125xi32, #tpu.memory_space<vmem>> -> memref<125xi32, #tpu.memory_space<vmem>>
    %dma_start3A_46 = arith.constant 0 : i32
    %dma_start3A_47 = arith.constant 0 : i32
    %dma_start3A_48 = tpu.memref_slice %arg2[%dma_start3A_46, %dma_start3A_47] : memref<20000x128xf32, #tpu.memory_space<hbm>> -> memref<20000x128xf32, #tpu.memory_space<hbm>>
    tpu.enqueue_indirect_dma source(%dma_start3A_48 : memref<20000x128xf32, #tpu.memory_space<hbm>>) target(%dma_start3A_42 : memref<125x128xf32, #tpu.memory_space<vmem>>) offsets(%dma_start3A_45 : memref<125xi32, #tpu.memory_space<vmem>>) semaphore(%arg11 : memref<!tpu.dma_semaphore, #tpu.memory_space<semaphore_mem>>)
    %dma_wait3A_49 = arith.constant 0 : i32
    %dma_wait3A_50 = tpu.memref_slice %arg10[%mul3A_11, %dma_wait3A_49] : memref<10000x128xf32, #tpu.memory_space<vmem_shared>> -> memref<624x128xf32, #tpu.memory_space<vmem_shared>>
    %dma_wait3A_51 = arith.constant 0 : i32
    %dma_wait3A_52 = tpu.memref_slice %arg5[%mul3A_11, %dma_wait3A_51] : memref<10000x128xf32, #tpu.memory_space<hbm>> -> memref<624x128xf32, #tpu.memory_space<hbm>>
    tpu.wait_dma2 semaphore(%arg12 : memref<!tpu.dma_semaphore, #tpu.memory_space<semaphore_mem>>) src(%dma_wait3A_52 : memref<624x128xf32, #tpu.memory_space<hbm>>) dst(%dma_wait3A_50 : memref<624x128xf32, #tpu.memory_space<vmem_shared>>)
    %eq3A_53 = arith.constant 15 : i32
    %eq3A_54 = arith.cmpi eq, %arg1, %eq3A_53 : i32
    %convert_element_type3A_55 = arith.extui %eq3A_54 : i1 to i32
    %cond3A_56 = arith.constant 0 : i32
    %cond3A_57 = arith.cmpi ne, %convert_element_type3A_55, %cond3A_56 : i32
    scf.if %cond3A_57 {
      %dma_wait3A_114 = arith.constant 9984 : i32
      %dma_wait3A_115 = arith.constant 0 : i32
      %dma_wait3A_116 = tpu.memref_slice %arg10[%dma_wait3A_114, %dma_wait3A_115] : memref<10000x128xf32, #tpu.memory_space<vmem_shared>> -> memref<16x128xf32, #tpu.memory_space<vmem_shared>>
      %dma_wait3A_117 = arith.constant 9984 : i32
      %dma_wait3A_118 = arith.constant 0 : i32
      %dma_wait3A_119 = tpu.memref_slice %arg5[%dma_wait3A_117, %dma_wait3A_118] : memref<10000x128xf32, #tpu.memory_space<hbm>> -> memref<16x128xf32, #tpu.memory_space<hbm>>
      tpu.wait_dma2 semaphore(%arg12 : memref<!tpu.dma_semaphore, #tpu.memory_space<semaphore_mem>>) src(%dma_wait3A_119 : memref<16x128xf32, #tpu.memory_space<hbm>>) dst(%dma_wait3A_116 : memref<16x128xf32, #tpu.memory_space<vmem_shared>>)
    } else {
    }
    %barrier3A = arith.constant 0 : index
    tpu.barrier barrier_id(%barrier3A)
    %mul3A_58 = arith.constant 80 : i32
    %mul3A_59 = arith.muli %add3A, %mul3A_58 : i32
    %add3A_60 = arith.constant 0 : i32
    %add3A_61 = arith.addi %mul3A_59, %add3A_60 : i32
    %multiple_of3A_62 = tpu.assume_multiple %add3A_61, 8 : i32
    %scan3A = arith.constant 0 : i32
    %scan3A_63 = arith.constant 0 : i32
    %scan3A_64 = arith.constant 20 : i32
    %scan3A_65 = arith.addi %scan3A_63, %scan3A_64 : i32
    %scan3A_66 = arith.constant 1 : i32
    %scan3A_67 = scf.for %scan3A_114 = %scan3A_63 to %scan3A_65 step %scan3A_66 iter_args(%scan3A_115 = %scan3A) -> (i32)  : i32 {
      %mul3A_116 = arith.constant 2 : i32
      %mul3A_117 = arith.muli %scan3A_114, %mul3A_116 : i32
      %add3A_118 = arith.constant 0 : i32
      %add3A_119 = arith.addi %mul3A_117, %add3A_118 : i32
      %dma_wait3A_120 = arith.constant 0 : i32
      %dma_wait3A_121 = arith.constant 0 : i32
      %dma_wait3A_122 = arith.constant 0 : i32
      %dma_wait3A_123 = arith.constant 0 : i32
      %dma_wait3A_124 = tpu.memref_slice %arg9[%dma_wait3A_121, %dma_wait3A_122, %dma_wait3A_123] : memref<2x125x128xf32, #tpu.memory_space<vmem>> -> memref<1x125x128xf32, #tpu.memory_space<vmem>>
      %dma_wait3A_125 = tpu.memref_squeeze %dma_wait3A_124 : memref<1x125x128xf32, #tpu.memory_space<vmem>> -> memref<125x128xf32, #tpu.memory_space<vmem>>
      %dma_wait3A_126 = arith.constant 0 : i32
      %dma_wait3A_127 = tpu.memref_slice %arg7[%dma_wait3A_120, %dma_wait3A_126] : memref<40x125xi32, #tpu.memory_space<vmem>> -> memref<1x125xi32, #tpu.memory_space<vmem>>
      %dma_wait3A_128 = tpu.memref_squeeze %dma_wait3A_127 : memref<1x125xi32, #tpu.memory_space<vmem>> -> memref<125xi32, #tpu.memory_space<vmem>>
      %dma_wait3A_129 = arith.constant 0 : i32
      %dma_wait3A_130 = arith.constant 0 : i32
      %dma_wait3A_131 = tpu.memref_slice %arg2[%dma_wait3A_129, %dma_wait3A_130] : memref<20000x128xf32, #tpu.memory_space<hbm>> -> memref<20000x128xf32, #tpu.memory_space<hbm>>
      tpu.wait_indirect_dma semaphore(%arg11 : memref<!tpu.dma_semaphore, #tpu.memory_space<semaphore_mem>>) src(%dma_wait3A_131 : memref<20000x128xf32, #tpu.memory_space<hbm>>) dst(%dma_wait3A_125 : memref<125x128xf32, #tpu.memory_space<vmem>>)
      %run_scoped3A = arith.constant 0 : i32
      "tpu.region"() ({
        %run_scoped3A_163 = tpu.sem_alloc : memref<!tpu.dma_semaphore, #tpu.memory_space<semaphore_mem>>
        %dma_start3A_164 = arith.constant 0 : i32
        %dma_start3A_165 = arith.constant 0 : i32
        %dma_start3A_166 = tpu.memref_slice %arg9[%run_scoped3A, %dma_start3A_164, %dma_start3A_165] : memref<2x125x128xf32, #tpu.memory_space<vmem>> -> memref<1x125x128xf32, #tpu.memory_space<vmem>>
        %dma_start3A_167 = tpu.memref_squeeze %dma_start3A_166 : memref<1x125x128xf32, #tpu.memory_space<vmem>> -> memref<125x128xf32, #tpu.memory_space<vmem>>
        %dma_start3A_168 = arith.constant 0 : i32
        %dma_start3A_169 = tpu.memref_slice %arg8[%add3A_119, %dma_start3A_168] : memref<40x125xi32, #tpu.memory_space<vmem>> -> memref<1x125xi32, #tpu.memory_space<vmem>>
        %dma_start3A_170 = tpu.memref_squeeze %dma_start3A_169 : memref<1x125xi32, #tpu.memory_space<vmem>> -> memref<125xi32, #tpu.memory_space<vmem>>
        %dma_start3A_171 = arith.constant 0 : i32
        %dma_start3A_172 = arith.constant 0 : i32
        %dma_start3A_173 = tpu.memref_slice %arg10[%dma_start3A_171, %dma_start3A_172] : memref<10000x128xf32, #tpu.memory_space<vmem_shared>> -> memref<10000x128xf32, #tpu.memory_space<vmem_shared>>
        tpu.enqueue_indirect_dma source(%dma_start3A_167 : memref<125x128xf32, #tpu.memory_space<vmem>>) target(%dma_start3A_173 : memref<10000x128xf32, #tpu.memory_space<vmem_shared>>) offsets(%dma_start3A_170 : memref<125xi32, #tpu.memory_space<vmem>>) semaphore(%run_scoped3A_163 : memref<!tpu.dma_semaphore, #tpu.memory_space<semaphore_mem>>) {add = true}
        %dma_wait3A_174 = arith.constant 0 : i32
        %dma_wait3A_175 = arith.constant 0 : i32
        %dma_wait3A_176 = tpu.memref_slice %arg9[%run_scoped3A, %dma_wait3A_174, %dma_wait3A_175] : memref<2x125x128xf32, #tpu.memory_space<vmem>> -> memref<1x125x128xf32, #tpu.memory_space<vmem>>
        %dma_wait3A_177 = tpu.memref_squeeze %dma_wait3A_176 : memref<1x125x128xf32, #tpu.memory_space<vmem>> -> memref<125x128xf32, #tpu.memory_space<vmem>>
        %dma_wait3A_178 = arith.constant 0 : i32
        %dma_wait3A_179 = tpu.memref_slice %arg8[%add3A_119, %dma_wait3A_178] : memref<40x125xi32, #tpu.memory_space<vmem>> -> memref<1x125xi32, #tpu.memory_space<vmem>>
        %dma_wait3A_180 = tpu.memref_squeeze %dma_wait3A_179 : memref<1x125xi32, #tpu.memory_space<vmem>> -> memref<125xi32, #tpu.memory_space<vmem>>
        %dma_wait3A_181 = arith.constant 0 : i32
        %dma_wait3A_182 = arith.constant 0 : i32
        %dma_wait3A_183 = tpu.memref_slice %arg10[%dma_wait3A_181, %dma_wait3A_182] : memref<10000x128xf32, #tpu.memory_space<vmem_shared>> -> memref<10000x128xf32, #tpu.memory_space<vmem_shared>>
        tpu.wait_indirect_dma semaphore(%run_scoped3A_163 : memref<!tpu.dma_semaphore, #tpu.memory_space<semaphore_mem>>) src(%dma_wait3A_177 : memref<125x128xf32, #tpu.memory_space<vmem>>) dst(%dma_wait3A_183 : memref<10000x128xf32, #tpu.memory_space<vmem_shared>>)
        tpu.yield
      }) : () -> ()
      %add3A_132 = arith.constant 2 : i32
      %add3A_133 = arith.addi %add3A_119, %add3A_132 : i32
      %lt3A = arith.constant 40 : i32
      %lt3A_134 = arith.cmpi slt, %add3A_133, %lt3A : i32
      %convert_element_type3A_135 = arith.extui %lt3A_134 : i1 to i32
      %cond3A_136 = arith.constant 0 : i32
      %cond3A_137 = arith.cmpi ne, %convert_element_type3A_135, %cond3A_136 : i32
      scf.if %cond3A_137 {
        %add3A_163 = arith.constant 2 : i32
        %add3A_164 = arith.addi %add3A_119, %add3A_163 : i32
        %dma_start3A_165 = arith.constant 0 : i32
        %dma_start3A_166 = arith.constant 0 : i32
        %dma_start3A_167 = arith.constant 0 : i32
        %dma_start3A_168 = tpu.memref_slice %arg9[%dma_start3A_165, %dma_start3A_166, %dma_start3A_167] : memref<2x125x128xf32, #tpu.memory_space<vmem>> -> memref<1x125x128xf32, #tpu.memory_space<vmem>>
        %dma_start3A_169 = tpu.memref_squeeze %dma_start3A_168 : memref<1x125x128xf32, #tpu.memory_space<vmem>> -> memref<125x128xf32, #tpu.memory_space<vmem>>
        %dma_start3A_170 = arith.constant 0 : i32
        %dma_start3A_171 = tpu.memref_slice %arg7[%add3A_164, %dma_start3A_170] : memref<40x125xi32, #tpu.memory_space<vmem>> -> memref<1x125xi32, #tpu.memory_space<vmem>>
        %dma_start3A_172 = tpu.memref_squeeze %dma_start3A_171 : memref<1x125xi32, #tpu.memory_space<vmem>> -> memref<125xi32, #tpu.memory_space<vmem>>
        %dma_start3A_173 = arith.constant 0 : i32
        %dma_start3A_174 = arith.constant 0 : i32
        %dma_start3A_175 = tpu.memref_slice %arg2[%dma_start3A_173, %dma_start3A_174] : memref<20000x128xf32, #tpu.memory_space<hbm>> -> memref<20000x128xf32, #tpu.memory_space<hbm>>
        tpu.enqueue_indirect_dma source(%dma_start3A_175 : memref<20000x128xf32, #tpu.memory_space<hbm>>) target(%dma_start3A_169 : memref<125x128xf32, #tpu.memory_space<vmem>>) offsets(%dma_start3A_172 : memref<125xi32, #tpu.memory_space<vmem>>) semaphore(%arg11 : memref<!tpu.dma_semaphore, #tpu.memory_space<semaphore_mem>>)
      } else {
      }
      %mul3A_138 = arith.constant 2 : i32
      %mul3A_139 = arith.muli %scan3A_114, %mul3A_138 : i32
      %add3A_140 = arith.constant 1 : i32
      %add3A_141 = arith.addi %mul3A_139, %add3A_140 : i32
      %dma_wait3A_142 = arith.constant 0 : i32
      %dma_wait3A_143 = arith.constant 1 : i32
      %dma_wait3A_144 = arith.constant 0 : i32
      %dma_wait3A_145 = arith.constant 0 : i32
      %dma_wait3A_146 = tpu.memref_slice %arg9[%dma_wait3A_143, %dma_wait3A_144, %dma_wait3A_145] : memref<2x125x128xf32, #tpu.memory_space<vmem>> -> memref<1x125x128xf32, #tpu.memory_space<vmem>>
      %dma_wait3A_147 = tpu.memref_squeeze %dma_wait3A_146 : memref<1x125x128xf32, #tpu.memory_space<vmem>> -> memref<125x128xf32, #tpu.memory_space<vmem>>
      %dma_wait3A_148 = arith.constant 0 : i32
      %dma_wait3A_149 = tpu.memref_slice %arg7[%dma_wait3A_142, %dma_wait3A_148] : memref<40x125xi32, #tpu.memory_space<vmem>> -> memref<1x125xi32, #tpu.memory_space<vmem>>
      %dma_wait3A_150 = tpu.memref_squeeze %dma_wait3A_149 : memref<1x125xi32, #tpu.memory_space<vmem>> -> memref<125xi32, #tpu.memory_space<vmem>>
      %dma_wait3A_151 = arith.constant 0 : i32
      %dma_wait3A_152 = arith.constant 0 : i32
      %dma_wait3A_153 = tpu.memref_slice %arg2[%dma_wait3A_151, %dma_wait3A_152] : memref<20000x128xf32, #tpu.memory_space<hbm>> -> memref<20000x128xf32, #tpu.memory_space<hbm>>
      tpu.wait_indirect_dma semaphore(%arg11 : memref<!tpu.dma_semaphore, #tpu.memory_space<semaphore_mem>>) src(%dma_wait3A_153 : memref<20000x128xf32, #tpu.memory_space<hbm>>) dst(%dma_wait3A_147 : memref<125x128xf32, #tpu.memory_space<vmem>>)
      %run_scoped3A_154 = arith.constant 1 : i32
      "tpu.region"() ({
        %run_scoped3A_163 = tpu.sem_alloc : memref<!tpu.dma_semaphore, #tpu.memory_space<semaphore_mem>>
        %dma_start3A_164 = arith.constant 0 : i32
        %dma_start3A_165 = arith.constant 0 : i32
        %dma_start3A_166 = tpu.memref_slice %arg9[%run_scoped3A_154, %dma_start3A_164, %dma_start3A_165] : memref<2x125x128xf32, #tpu.memory_space<vmem>> -> memref<1x125x128xf32, #tpu.memory_space<vmem>>
        %dma_start3A_167 = tpu.memref_squeeze %dma_start3A_166 : memref<1x125x128xf32, #tpu.memory_space<vmem>> -> memref<125x128xf32, #tpu.memory_space<vmem>>
        %dma_start3A_168 = arith.constant 0 : i32
        %dma_start3A_169 = tpu.memref_slice %arg8[%add3A_141, %dma_start3A_168] : memref<40x125xi32, #tpu.memory_space<vmem>> -> memref<1x125xi32, #tpu.memory_space<vmem>>
        %dma_start3A_170 = tpu.memref_squeeze %dma_start3A_169 : memref<1x125xi32, #tpu.memory_space<vmem>> -> memref<125xi32, #tpu.memory_space<vmem>>
        %dma_start3A_171 = arith.constant 0 : i32
        %dma_start3A_172 = arith.constant 0 : i32
        %dma_start3A_173 = tpu.memref_slice %arg10[%dma_start3A_171, %dma_start3A_172] : memref<10000x128xf32, #tpu.memory_space<vmem_shared>> -> memref<10000x128xf32, #tpu.memory_space<vmem_shared>>
        tpu.enqueue_indirect_dma source(%dma_start3A_167 : memref<125x128xf32, #tpu.memory_space<vmem>>) target(%dma_start3A_173 : memref<10000x128xf32, #tpu.memory_space<vmem_shared>>) offsets(%dma_start3A_170 : memref<125xi32, #tpu.memory_space<vmem>>) semaphore(%run_scoped3A_163 : memref<!tpu.dma_semaphore, #tpu.memory_space<semaphore_mem>>) {add = true}
        %dma_wait3A_174 = arith.constant 0 : i32
        %dma_wait3A_175 = arith.constant 0 : i32
        %dma_wait3A_176 = tpu.memref_slice %arg9[%run_scoped3A_154, %dma_wait3A_174, %dma_wait3A_175] : memref<2x125x128xf32, #tpu.memory_space<vmem>> -> memref<1x125x128xf32, #tpu.memory_space<vmem>>
        %dma_wait3A_177 = tpu.memref_squeeze %dma_wait3A_176 : memref<1x125x128xf32, #tpu.memory_space<vmem>> -> memref<125x128xf32, #tpu.memory_space<vmem>>
        %dma_wait3A_178 = arith.constant 0 : i32
        %dma_wait3A_179 = tpu.memref_slice %arg8[%add3A_141, %dma_wait3A_178] : memref<40x125xi32, #tpu.memory_space<vmem>> -> memref<1x125xi32, #tpu.memory_space<vmem>>
        %dma_wait3A_180 = tpu.memref_squeeze %dma_wait3A_179 : memref<1x125xi32, #tpu.memory_space<vmem>> -> memref<125xi32, #tpu.memory_space<vmem>>
        %dma_wait3A_181 = arith.constant 0 : i32
        %dma_wait3A_182 = arith.constant 0 : i32
        %dma_wait3A_183 = tpu.memref_slice %arg10[%dma_wait3A_181, %dma_wait3A_182] : memref<10000x128xf32, #tpu.memory_space<vmem_shared>> -> memref<10000x128xf32, #tpu.memory_space<vmem_shared>>
        tpu.wait_indirect_dma semaphore(%run_scoped3A_163 : memref<!tpu.dma_semaphore, #tpu.memory_space<semaphore_mem>>) src(%dma_wait3A_177 : memref<125x128xf32, #tpu.memory_space<vmem>>) dst(%dma_wait3A_183 : memref<10000x128xf32, #tpu.memory_space<vmem_shared>>)
        tpu.yield
      }) : () -> ()
      %add3A_155 = arith.constant 2 : i32
      %add3A_156 = arith.addi %add3A_141, %add3A_155 : i32
      %lt3A_157 = arith.constant 40 : i32
      %lt3A_158 = arith.cmpi slt, %add3A_156, %lt3A_157 : i32
      %convert_element_type3A_159 = arith.extui %lt3A_158 : i1 to i32
      %cond3A_160 = arith.constant 0 : i32
      %cond3A_161 = arith.cmpi ne, %convert_element_type3A_159, %cond3A_160 : i32
      scf.if %cond3A_161 {
        %add3A_163 = arith.constant 2 : i32
        %add3A_164 = arith.addi %add3A_141, %add3A_163 : i32
        %dma_start3A_165 = arith.constant 1 : i32
        %dma_start3A_166 = arith.constant 0 : i32
        %dma_start3A_167 = arith.constant 0 : i32
        %dma_start3A_168 = tpu.memref_slice %arg9[%dma_start3A_165, %dma_start3A_166, %dma_start3A_167] : memref<2x125x128xf32, #tpu.memory_space<vmem>> -> memref<1x125x128xf32, #tpu.memory_space<vmem>>
        %dma_start3A_169 = tpu.memref_squeeze %dma_start3A_168 : memref<1x125x128xf32, #tpu.memory_space<vmem>> -> memref<125x128xf32, #tpu.memory_space<vmem>>
        %dma_start3A_170 = arith.constant 0 : i32
        %dma_start3A_171 = tpu.memref_slice %arg7[%add3A_164, %dma_start3A_170] : memref<40x125xi32, #tpu.memory_space<vmem>> -> memref<1x125xi32, #tpu.memory_space<vmem>>
        %dma_start3A_172 = tpu.memref_squeeze %dma_start3A_171 : memref<1x125xi32, #tpu.memory_space<vmem>> -> memref<125xi32, #tpu.memory_space<vmem>>
        %dma_start3A_173 = arith.constant 0 : i32
        %dma_start3A_174 = arith.constant 0 : i32
        %dma_start3A_175 = tpu.memref_slice %arg2[%dma_start3A_173, %dma_start3A_174] : memref<20000x128xf32, #tpu.memory_space<hbm>> -> memref<20000x128xf32, #tpu.memory_space<hbm>>
        tpu.enqueue_indirect_dma source(%dma_start3A_175 : memref<20000x128xf32, #tpu.memory_space<hbm>>) target(%dma_start3A_169 : memref<125x128xf32, #tpu.memory_space<vmem>>) offsets(%dma_start3A_172 : memref<125xi32, #tpu.memory_space<vmem>>) semaphore(%arg11 : memref<!tpu.dma_semaphore, #tpu.memory_space<semaphore_mem>>)
      } else {
      }
      %scan3A_162 = arith.constant 0 : i32
      scf.yield %scan3A_162 : i32
    }
    %scan3A_68 = arith.constant 20 : i32
    %mul3A_69 = arith.constant 80 : i32
    %mul3A_70 = arith.muli %add3A, %mul3A_69 : i32
    %add3A_71 = arith.constant 40 : i32
    %add3A_72 = arith.addi %mul3A_70, %add3A_71 : i32
    %multiple_of3A_73 = tpu.assume_multiple %add3A_72, 8 : i32
    "tpu.region"() ({
      %run_scoped3A = tpu.sem_alloc : memref<!tpu.dma_semaphore, #tpu.memory_space<semaphore_mem>>
      %dma_start3A_114 = arith.constant 0 : i32
      %dma_start3A_115 = tpu.memref_slice %arg4[%multiple_of3A_73, %dma_start3A_114] : memref<2560x125xi32, #tpu.memory_space<hbm>> -> memref<40x125xi32, #tpu.memory_space<hbm>>
      %dma_start3A_116 = arith.constant 0 : i32
      %dma_start3A_117 = tpu.memref_slice %arg4[%multiple_of3A_73, %dma_start3A_116] : memref<2560x125xi32, #tpu.memory_space<hbm>> -> memref<40x125xi32, #tpu.memory_space<hbm>>
      tpu.enqueue_dma source(%dma_start3A_117 : memref<40x125xi32, #tpu.memory_space<hbm>>) target(%arg7 : memref<40x125xi32, #tpu.memory_space<vmem>>) target_semaphore(%run_scoped3A : memref<!tpu.dma_semaphore, #tpu.memory_space<semaphore_mem>>)
      %dma_wait3A_118 = arith.constant 0 : i32
      %dma_wait3A_119 = tpu.memref_slice %arg4[%multiple_of3A_73, %dma_wait3A_118] : memref<2560x125xi32, #tpu.memory_space<hbm>> -> memref<40x125xi32, #tpu.memory_space<hbm>>
      %dma_wait3A_120 = arith.constant 0 : i32
      %dma_wait3A_121 = tpu.memref_slice %arg4[%multiple_of3A_73, %dma_wait3A_120] : memref<2560x125xi32, #tpu.memory_space<hbm>> -> memref<40x125xi32, #tpu.memory_space<hbm>>
      tpu.wait_dma2 semaphore(%run_scoped3A : memref<!tpu.dma_semaphore, #tpu.memory_space<semaphore_mem>>) src(%dma_wait3A_121 : memref<40x125xi32, #tpu.memory_space<hbm>>) dst(%arg7 : memref<40x125xi32, #tpu.memory_space<vmem>>)
      tpu.yield
    }) : () -> ()
    "tpu.region"() ({
      %run_scoped3A = tpu.sem_alloc : memref<!tpu.dma_semaphore, #tpu.memory_space<semaphore_mem>>
      %dma_start3A_114 = arith.constant 0 : i32
      %dma_start3A_115 = tpu.memref_slice %arg3[%multiple_of3A_73, %dma_start3A_114] : memref<2560x125xi32, #tpu.memory_space<hbm>> -> memref<40x125xi32, #tpu.memory_space<hbm>>
      %dma_start3A_116 = arith.constant 0 : i32
      %dma_start3A_117 = tpu.memref_slice %arg3[%multiple_of3A_73, %dma_start3A_116] : memref<2560x125xi32, #tpu.memory_space<hbm>> -> memref<40x125xi32, #tpu.memory_space<hbm>>
      tpu.enqueue_dma source(%dma_start3A_117 : memref<40x125xi32, #tpu.memory_space<hbm>>) target(%arg8 : memref<40x125xi32, #tpu.memory_space<vmem>>) target_semaphore(%run_scoped3A : memref<!tpu.dma_semaphore, #tpu.memory_space<semaphore_mem>>)
      %dma_wait3A_118 = arith.constant 0 : i32
      %dma_wait3A_119 = tpu.memref_slice %arg3[%multiple_of3A_73, %dma_wait3A_118] : memref<2560x125xi32, #tpu.memory_space<hbm>> -> memref<40x125xi32, #tpu.memory_space<hbm>>
      %dma_wait3A_120 = arith.constant 0 : i32
      %dma_wait3A_121 = tpu.memref_slice %arg3[%multiple_of3A_73, %dma_wait3A_120] : memref<2560x125xi32, #tpu.memory_space<hbm>> -> memref<40x125xi32, #tpu.memory_space<hbm>>
      tpu.wait_dma2 semaphore(%run_scoped3A : memref<!tpu.dma_semaphore, #tpu.memory_space<semaphore_mem>>) src(%dma_wait3A_121 : memref<40x125xi32, #tpu.memory_space<hbm>>) dst(%arg8 : memref<40x125xi32, #tpu.memory_space<vmem>>)
      tpu.yield
    }) : () -> ()
    %dma_start3A_74 = arith.constant 0 : i32
    %dma_start3A_75 = arith.constant 0 : i32
    %dma_start3A_76 = arith.constant 0 : i32
    %dma_start3A_77 = arith.constant 0 : i32
    %dma_start3A_78 = tpu.memref_slice %arg9[%dma_start3A_75, %dma_start3A_76, %dma_start3A_77] : memref<2x125x128xf32, #tpu.memory_space<vmem>> -> memref<1x125x128xf32, #tpu.memory_space<vmem>>
    %dma_start3A_79 = tpu.memref_squeeze %dma_start3A_78 : memref<1x125x128xf32, #tpu.memory_space<vmem>> -> memref<125x128xf32, #tpu.memory_space<vmem>>
    %dma_start3A_80 = arith.constant 0 : i32
    %dma_start3A_81 = tpu.memref_slice %arg7[%dma_start3A_74, %dma_start3A_80] : memref<40x125xi32, #tpu.memory_space<vmem>> -> memref<1x125xi32, #tpu.memory_space<vmem>>
    %dma_start3A_82 = tpu.memref_squeeze %dma_start3A_81 : memref<1x125xi32, #tpu.memory_space<vmem>> -> memref<125xi32, #tpu.memory_space<vmem>>
    %dma_start3A_83 = arith.constant 0 : i32
    %dma_start3A_84 = arith.constant 0 : i32
    %dma_start3A_85 = tpu.memref_slice %arg2[%dma_start3A_83, %dma_start3A_84] : memref<20000x128xf32, #tpu.memory_space<hbm>> -> memref<20000x128xf32, #tpu.memory_space<hbm>>
    tpu.enqueue_indirect_dma source(%dma_start3A_85 : memref<20000x128xf32, #tpu.memory_space<hbm>>) target(%dma_start3A_79 : memref<125x128xf32, #tpu.memory_space<vmem>>) offsets(%dma_start3A_82 : memref<125xi32, #tpu.memory_space<vmem>>) semaphore(%arg11 : memref<!tpu.dma_semaphore, #tpu.memory_space<semaphore_mem>>)
    %dma_start3A_86 = arith.constant 1 : i32
    %dma_start3A_87 = arith.constant 1 : i32
    %dma_start3A_88 = arith.constant 0 : i32
    %dma_start3A_89 = arith.constant 0 : i32
    %dma_start3A_90 = tpu.memref_slice %arg9[%dma_start3A_87, %dma_start3A_88, %dma_start3A_89] : memref<2x125x128xf32, #tpu.memory_space<vmem>> -> memref<1x125x128xf32, #tpu.memory_space<vmem>>
    %dma_start3A_91 = tpu.memref_squeeze %dma_start3A_90 : memref<1x125x128xf32, #tpu.memory_space<vmem>> -> memref<125x128xf32, #tpu.memory_space<vmem>>
    %dma_start3A_92 = arith.constant 0 : i32
    %dma_start3A_93 = tpu.memref_slice %arg7[%dma_start3A_86, %dma_start3A_92] : memref<40x125xi32, #tpu.memory_space<vmem>> -> memref<1x125xi32, #tpu.memory_space<vmem>>
    %dma_start3A_94 = tpu.memref_squeeze %dma_start3A_93 : memref<1x125xi32, #tpu.memory_space<vmem>> -> memref<125xi32, #tpu.memory_space<vmem>>
    %dma_start3A_95 = arith.constant 0 : i32
    %dma_start3A_96 = arith.constant 0 : i32
    %dma_start3A_97 = tpu.memref_slice %arg2[%dma_start3A_95, %dma_start3A_96] : memref<20000x128xf32, #tpu.memory_space<hbm>> -> memref<20000x128xf32, #tpu.memory_space<hbm>>
    tpu.enqueue_indirect_dma source(%dma_start3A_97 : memref<20000x128xf32, #tpu.memory_space<hbm>>) target(%dma_start3A_91 : memref<125x128xf32, #tpu.memory_space<vmem>>) offsets(%dma_start3A_94 : memref<125xi32, #tpu.memory_space<vmem>>) semaphore(%arg11 : memref<!tpu.dma_semaphore, #tpu.memory_space<semaphore_mem>>)
    %scan3A_98 = arith.constant 0 : i32
    %scan3A_99 = arith.constant 0 : i32
    %scan3A_100 = arith.constant 20 : i32
    %scan3A_101 = arith.addi %scan3A_99, %scan3A_100 : i32
    %scan3A_102 = arith.constant 1 : i32
    %scan3A_103 = scf.for %scan3A_114 = %scan3A_99 to %scan3A_101 step %scan3A_102 iter_args(%scan3A_115 = %scan3A_98) -> (i32)  : i32 {
      %mul3A_116 = arith.constant 2 : i32
      %mul3A_117 = arith.muli %scan3A_114, %mul3A_116 : i32
      %add3A_118 = arith.constant 0 : i32
      %add3A_119 = arith.addi %mul3A_117, %add3A_118 : i32
      %dma_wait3A_120 = arith.constant 0 : i32
      %dma_wait3A_121 = arith.constant 0 : i32
      %dma_wait3A_122 = arith.constant 0 : i32
      %dma_wait3A_123 = arith.constant 0 : i32
      %dma_wait3A_124 = tpu.memref_slice %arg9[%dma_wait3A_121, %dma_wait3A_122, %dma_wait3A_123] : memref<2x125x128xf32, #tpu.memory_space<vmem>> -> memref<1x125x128xf32, #tpu.memory_space<vmem>>
      %dma_wait3A_125 = tpu.memref_squeeze %dma_wait3A_124 : memref<1x125x128xf32, #tpu.memory_space<vmem>> -> memref<125x128xf32, #tpu.memory_space<vmem>>
      %dma_wait3A_126 = arith.constant 0 : i32
      %dma_wait3A_127 = tpu.memref_slice %arg7[%dma_wait3A_120, %dma_wait3A_126] : memref<40x125xi32, #tpu.memory_space<vmem>> -> memref<1x125xi32, #tpu.memory_space<vmem>>
      %dma_wait3A_128 = tpu.memref_squeeze %dma_wait3A_127 : memref<1x125xi32, #tpu.memory_space<vmem>> -> memref<125xi32, #tpu.memory_space<vmem>>
      %dma_wait3A_129 = arith.constant 0 : i32
      %dma_wait3A_130 = arith.constant 0 : i32
      %dma_wait3A_131 = tpu.memref_slice %arg2[%dma_wait3A_129, %dma_wait3A_130] : memref<20000x128xf32, #tpu.memory_space<hbm>> -> memref<20000x128xf32, #tpu.memory_space<hbm>>
      tpu.wait_indirect_dma semaphore(%arg11 : memref<!tpu.dma_semaphore, #tpu.memory_space<semaphore_mem>>) src(%dma_wait3A_131 : memref<20000x128xf32, #tpu.memory_space<hbm>>) dst(%dma_wait3A_125 : memref<125x128xf32, #tpu.memory_space<vmem>>)
      %run_scoped3A = arith.constant 0 : i32
      "tpu.region"() ({
        %run_scoped3A_163 = tpu.sem_alloc : memref<!tpu.dma_semaphore, #tpu.memory_space<semaphore_mem>>
        %dma_start3A_164 = arith.constant 0 : i32
        %dma_start3A_165 = arith.constant 0 : i32
        %dma_start3A_166 = tpu.memref_slice %arg9[%run_scoped3A, %dma_start3A_164, %dma_start3A_165] : memref<2x125x128xf32, #tpu.memory_space<vmem>> -> memref<1x125x128xf32, #tpu.memory_space<vmem>>
        %dma_start3A_167 = tpu.memref_squeeze %dma_start3A_166 : memref<1x125x128xf32, #tpu.memory_space<vmem>> -> memref<125x128xf32, #tpu.memory_space<vmem>>
        %dma_start3A_168 = arith.constant 0 : i32
        %dma_start3A_169 = tpu.memref_slice %arg8[%add3A_119, %dma_start3A_168] : memref<40x125xi32, #tpu.memory_space<vmem>> -> memref<1x125xi32, #tpu.memory_space<vmem>>
        %dma_start3A_170 = tpu.memref_squeeze %dma_start3A_169 : memref<1x125xi32, #tpu.memory_space<vmem>> -> memref<125xi32, #tpu.memory_space<vmem>>
        %dma_start3A_171 = arith.constant 0 : i32
        %dma_start3A_172 = arith.constant 0 : i32
        %dma_start3A_173 = tpu.memref_slice %arg10[%dma_start3A_171, %dma_start3A_172] : memref<10000x128xf32, #tpu.memory_space<vmem_shared>> -> memref<10000x128xf32, #tpu.memory_space<vmem_shared>>
        tpu.enqueue_indirect_dma source(%dma_start3A_167 : memref<125x128xf32, #tpu.memory_space<vmem>>) target(%dma_start3A_173 : memref<10000x128xf32, #tpu.memory_space<vmem_shared>>) offsets(%dma_start3A_170 : memref<125xi32, #tpu.memory_space<vmem>>) semaphore(%run_scoped3A_163 : memref<!tpu.dma_semaphore, #tpu.memory_space<semaphore_mem>>) {add = true}
        %dma_wait3A_174 = arith.constant 0 : i32
        %dma_wait3A_175 = arith.constant 0 : i32
        %dma_wait3A_176 = tpu.memref_slice %arg9[%run_scoped3A, %dma_wait3A_174, %dma_wait3A_175] : memref<2x125x128xf32, #tpu.memory_space<vmem>> -> memref<1x125x128xf32, #tpu.memory_space<vmem>>
        %dma_wait3A_177 = tpu.memref_squeeze %dma_wait3A_176 : memref<1x125x128xf32, #tpu.memory_space<vmem>> -> memref<125x128xf32, #tpu.memory_space<vmem>>
        %dma_wait3A_178 = arith.constant 0 : i32
        %dma_wait3A_179 = tpu.memref_slice %arg8[%add3A_119, %dma_wait3A_178] : memref<40x125xi32, #tpu.memory_space<vmem>> -> memref<1x125xi32, #tpu.memory_space<vmem>>
        %dma_wait3A_180 = tpu.memref_squeeze %dma_wait3A_179 : memref<1x125xi32, #tpu.memory_space<vmem>> -> memref<125xi32, #tpu.memory_space<vmem>>
        %dma_wait3A_181 = arith.constant 0 : i32
        %dma_wait3A_182 = arith.constant 0 : i32
        %dma_wait3A_183 = tpu.memref_slice %arg10[%dma_wait3A_181, %dma_wait3A_182] : memref<10000x128xf32, #tpu.memory_space<vmem_shared>> -> memref<10000x128xf32, #tpu.memory_space<vmem_shared>>
        tpu.wait_indirect_dma semaphore(%run_scoped3A_163 : memref<!tpu.dma_semaphore, #tpu.memory_space<semaphore_mem>>) src(%dma_wait3A_177 : memref<125x128xf32, #tpu.memory_space<vmem>>) dst(%dma_wait3A_183 : memref<10000x128xf32, #tpu.memory_space<vmem_shared>>)
        tpu.yield
      }) : () -> ()
      %add3A_132 = arith.constant 2 : i32
      %add3A_133 = arith.addi %add3A_119, %add3A_132 : i32
      %lt3A = arith.constant 40 : i32
      %lt3A_134 = arith.cmpi slt, %add3A_133, %lt3A : i32
      %convert_element_type3A_135 = arith.extui %lt3A_134 : i1 to i32
      %cond3A_136 = arith.constant 0 : i32
      %cond3A_137 = arith.cmpi ne, %convert_element_type3A_135, %cond3A_136 : i32
      scf.if %cond3A_137 {
        %add3A_163 = arith.constant 2 : i32
        %add3A_164 = arith.addi %add3A_119, %add3A_163 : i32
        %dma_start3A_165 = arith.constant 0 : i32
        %dma_start3A_166 = arith.constant 0 : i32
        %dma_start3A_167 = arith.constant 0 : i32
        %dma_start3A_168 = tpu.memref_slice %arg9[%dma_start3A_165, %dma_start3A_166, %dma_start3A_167] : memref<2x125x128xf32, #tpu.memory_space<vmem>> -> memref<1x125x128xf32, #tpu.memory_space<vmem>>
        %dma_start3A_169 = tpu.memref_squeeze %dma_start3A_168 : memref<1x125x128xf32, #tpu.memory_space<vmem>> -> memref<125x128xf32, #tpu.memory_space<vmem>>
        %dma_start3A_170 = arith.constant 0 : i32
        %dma_start3A_171 = tpu.memref_slice %arg7[%add3A_164, %dma_start3A_170] : memref<40x125xi32, #tpu.memory_space<vmem>> -> memref<1x125xi32, #tpu.memory_space<vmem>>
        %dma_start3A_172 = tpu.memref_squeeze %dma_start3A_171 : memref<1x125xi32, #tpu.memory_space<vmem>> -> memref<125xi32, #tpu.memory_space<vmem>>
        %dma_start3A_173 = arith.constant 0 : i32
        %dma_start3A_174 = arith.constant 0 : i32
        %dma_start3A_175 = tpu.memref_slice %arg2[%dma_start3A_173, %dma_start3A_174] : memref<20000x128xf32, #tpu.memory_space<hbm>> -> memref<20000x128xf32, #tpu.memory_space<hbm>>
        tpu.enqueue_indirect_dma source(%dma_start3A_175 : memref<20000x128xf32, #tpu.memory_space<hbm>>) target(%dma_start3A_169 : memref<125x128xf32, #tpu.memory_space<vmem>>) offsets(%dma_start3A_172 : memref<125xi32, #tpu.memory_space<vmem>>) semaphore(%arg11 : memref<!tpu.dma_semaphore, #tpu.memory_space<semaphore_mem>>)
      } else {
      }
      %mul3A_138 = arith.constant 2 : i32
      %mul3A_139 = arith.muli %scan3A_114, %mul3A_138 : i32
      %add3A_140 = arith.constant 1 : i32
      %add3A_141 = arith.addi %mul3A_139, %add3A_140 : i32
      %dma_wait3A_142 = arith.constant 0 : i32
      %dma_wait3A_143 = arith.constant 1 : i32
      %dma_wait3A_144 = arith.constant 0 : i32
      %dma_wait3A_145 = arith.constant 0 : i32
      %dma_wait3A_146 = tpu.memref_slice %arg9[%dma_wait3A_143, %dma_wait3A_144, %dma_wait3A_145] : memref<2x125x128xf32, #tpu.memory_space<vmem>> -> memref<1x125x128xf32, #tpu.memory_space<vmem>>
      %dma_wait3A_147 = tpu.memref_squeeze %dma_wait3A_146 : memref<1x125x128xf32, #tpu.memory_space<vmem>> -> memref<125x128xf32, #tpu.memory_space<vmem>>
      %dma_wait3A_148 = arith.constant 0 : i32
      %dma_wait3A_149 = tpu.memref_slice %arg7[%dma_wait3A_142, %dma_wait3A_148] : memref<40x125xi32, #tpu.memory_space<vmem>> -> memref<1x125xi32, #tpu.memory_space<vmem>>
      %dma_wait3A_150 = tpu.memref_squeeze %dma_wait3A_149 : memref<1x125xi32, #tpu.memory_space<vmem>> -> memref<125xi32, #tpu.memory_space<vmem>>
      %dma_wait3A_151 = arith.constant 0 : i32
      %dma_wait3A_152 = arith.constant 0 : i32
      %dma_wait3A_153 = tpu.memref_slice %arg2[%dma_wait3A_151, %dma_wait3A_152] : memref<20000x128xf32, #tpu.memory_space<hbm>> -> memref<20000x128xf32, #tpu.memory_space<hbm>>
      tpu.wait_indirect_dma semaphore(%arg11 : memref<!tpu.dma_semaphore, #tpu.memory_space<semaphore_mem>>) src(%dma_wait3A_153 : memref<20000x128xf32, #tpu.memory_space<hbm>>) dst(%dma_wait3A_147 : memref<125x128xf32, #tpu.memory_space<vmem>>)
      %run_scoped3A_154 = arith.constant 1 : i32
      "tpu.region"() ({
        %run_scoped3A_163 = tpu.sem_alloc : memref<!tpu.dma_semaphore, #tpu.memory_space<semaphore_mem>>
        %dma_start3A_164 = arith.constant 0 : i32
        %dma_start3A_165 = arith.constant 0 : i32
        %dma_start3A_166 = tpu.memref_slice %arg9[%run_scoped3A_154, %dma_start3A_164, %dma_start3A_165] : memref<2x125x128xf32, #tpu.memory_space<vmem>> -> memref<1x125x128xf32, #tpu.memory_space<vmem>>
        %dma_start3A_167 = tpu.memref_squeeze %dma_start3A_166 : memref<1x125x128xf32, #tpu.memory_space<vmem>> -> memref<125x128xf32, #tpu.memory_space<vmem>>
        %dma_start3A_168 = arith.constant 0 : i32
        %dma_start3A_169 = tpu.memref_slice %arg8[%add3A_141, %dma_start3A_168] : memref<40x125xi32, #tpu.memory_space<vmem>> -> memref<1x125xi32, #tpu.memory_space<vmem>>
        %dma_start3A_170 = tpu.memref_squeeze %dma_start3A_169 : memref<1x125xi32, #tpu.memory_space<vmem>> -> memref<125xi32, #tpu.memory_space<vmem>>
        %dma_start3A_171 = arith.constant 0 : i32
        %dma_start3A_172 = arith.constant 0 : i32
        %dma_start3A_173 = tpu.memref_slice %arg10[%dma_start3A_171, %dma_start3A_172] : memref<10000x128xf32, #tpu.memory_space<vmem_shared>> -> memref<10000x128xf32, #tpu.memory_space<vmem_shared>>
        tpu.enqueue_indirect_dma source(%dma_start3A_167 : memref<125x128xf32, #tpu.memory_space<vmem>>) target(%dma_start3A_173 : memref<10000x128xf32, #tpu.memory_space<vmem_shared>>) offsets(%dma_start3A_170 : memref<125xi32, #tpu.memory_space<vmem>>) semaphore(%run_scoped3A_163 : memref<!tpu.dma_semaphore, #tpu.memory_space<semaphore_mem>>) {add = true}
        %dma_wait3A_174 = arith.constant 0 : i32
        %dma_wait3A_175 = arith.constant 0 : i32
        %dma_wait3A_176 = tpu.memref_slice %arg9[%run_scoped3A_154, %dma_wait3A_174, %dma_wait3A_175] : memref<2x125x128xf32, #tpu.memory_space<vmem>> -> memref<1x125x128xf32, #tpu.memory_space<vmem>>
        %dma_wait3A_177 = tpu.memref_squeeze %dma_wait3A_176 : memref<1x125x128xf32, #tpu.memory_space<vmem>> -> memref<125x128xf32, #tpu.memory_space<vmem>>
        %dma_wait3A_178 = arith.constant 0 : i32
        %dma_wait3A_179 = tpu.memref_slice %arg8[%add3A_141, %dma_wait3A_178] : memref<40x125xi32, #tpu.memory_space<vmem>> -> memref<1x125xi32, #tpu.memory_space<vmem>>
        %dma_wait3A_180 = tpu.memref_squeeze %dma_wait3A_179 : memref<1x125xi32, #tpu.memory_space<vmem>> -> memref<125xi32, #tpu.memory_space<vmem>>
        %dma_wait3A_181 = arith.constant 0 : i32
        %dma_wait3A_182 = arith.constant 0 : i32
        %dma_wait3A_183 = tpu.memref_slice %arg10[%dma_wait3A_181, %dma_wait3A_182] : memref<10000x128xf32, #tpu.memory_space<vmem_shared>> -> memref<10000x128xf32, #tpu.memory_space<vmem_shared>>
        tpu.wait_indirect_dma semaphore(%run_scoped3A_163 : memref<!tpu.dma_semaphore, #tpu.memory_space<semaphore_mem>>) src(%dma_wait3A_177 : memref<125x128xf32, #tpu.memory_space<vmem>>) dst(%dma_wait3A_183 : memref<10000x128xf32, #tpu.memory_space<vmem_shared>>)
        tpu.yield
      }) : () -> ()
      %add3A_155 = arith.constant 2 : i32
      %add3A_156 = arith.addi %add3A_141, %add3A_155 : i32
      %lt3A_157 = arith.constant 40 : i32
      %lt3A_158 = arith.cmpi slt, %add3A_156, %lt3A_157 : i32
      %convert_element_type3A_159 = arith.extui %lt3A_158 : i1 to i32
      %cond3A_160 = arith.constant 0 : i32
      %cond3A_161 = arith.cmpi ne, %convert_element_type3A_159, %cond3A_160 : i32
      scf.if %cond3A_161 {
        %add3A_163 = arith.constant 2 : i32
        %add3A_164 = arith.addi %add3A_141, %add3A_163 : i32
        %dma_start3A_165 = arith.constant 1 : i32
        %dma_start3A_166 = arith.constant 0 : i32
        %dma_start3A_167 = arith.constant 0 : i32
        %dma_start3A_168 = tpu.memref_slice %arg9[%dma_start3A_165, %dma_start3A_166, %dma_start3A_167] : memref<2x125x128xf32, #tpu.memory_space<vmem>> -> memref<1x125x128xf32, #tpu.memory_space<vmem>>
        %dma_start3A_169 = tpu.memref_squeeze %dma_start3A_168 : memref<1x125x128xf32, #tpu.memory_space<vmem>> -> memref<125x128xf32, #tpu.memory_space<vmem>>
        %dma_start3A_170 = arith.constant 0 : i32
        %dma_start3A_171 = tpu.memref_slice %arg7[%add3A_164, %dma_start3A_170] : memref<40x125xi32, #tpu.memory_space<vmem>> -> memref<1x125xi32, #tpu.memory_space<vmem>>
        %dma_start3A_172 = tpu.memref_squeeze %dma_start3A_171 : memref<1x125xi32, #tpu.memory_space<vmem>> -> memref<125xi32, #tpu.memory_space<vmem>>
        %dma_start3A_173 = arith.constant 0 : i32
        %dma_start3A_174 = arith.constant 0 : i32
        %dma_start3A_175 = tpu.memref_slice %arg2[%dma_start3A_173, %dma_start3A_174] : memref<20000x128xf32, #tpu.memory_space<hbm>> -> memref<20000x128xf32, #tpu.memory_space<hbm>>
        tpu.enqueue_indirect_dma source(%dma_start3A_175 : memref<20000x128xf32, #tpu.memory_space<hbm>>) target(%dma_start3A_169 : memref<125x128xf32, #tpu.memory_space<vmem>>) offsets(%dma_start3A_172 : memref<125xi32, #tpu.memory_space<vmem>>) semaphore(%arg11 : memref<!tpu.dma_semaphore, #tpu.memory_space<semaphore_mem>>)
      } else {
      }
      %scan3A_162 = arith.constant 0 : i32
      scf.yield %scan3A_162 : i32
    }
    %scan3A_104 = arith.constant 20 : i32
    %barrier3A_105 = arith.constant 0 : index
    tpu.barrier barrier_id(%barrier3A_105)
    %mul3A_106 = arith.constant 10000 : i32
    %mul3A_107 = arith.muli %arg0, %mul3A_106 : i32
    %add3A_108 = arith.addi %mul3A_107, %mul3A_11 : i32
    "tpu.region"() ({
      %run_scoped3A = tpu.sem_alloc : memref<!tpu.dma_semaphore, #tpu.memory_space<semaphore_mem>>
      %dma_start3A_114 = arith.constant 0 : i32
      %dma_start3A_115 = tpu.memref_slice %arg6[%add3A_108, %dma_start3A_114] : memref<20000x128xf32, #tpu.memory_space<hbm>> -> memref<624x128xf32, #tpu.memory_space<hbm>>
      %dma_start3A_116 = arith.constant 0 : i32
      %dma_start3A_117 = tpu.memref_slice %arg10[%mul3A_11, %dma_start3A_116] : memref<10000x128xf32, #tpu.memory_space<vmem_shared>> -> memref<624x128xf32, #tpu.memory_space<vmem_shared>>
      tpu.enqueue_dma source(%dma_start3A_117 : memref<624x128xf32, #tpu.memory_space<vmem_shared>>) target(%dma_start3A_115 : memref<624x128xf32, #tpu.memory_space<hbm>>) target_semaphore(%run_scoped3A : memref<!tpu.dma_semaphore, #tpu.memory_space<semaphore_mem>>)
      %dma_wait3A_118 = arith.constant 0 : i32
      %dma_wait3A_119 = tpu.memref_slice %arg6[%add3A_108, %dma_wait3A_118] : memref<20000x128xf32, #tpu.memory_space<hbm>> -> memref<624x128xf32, #tpu.memory_space<hbm>>
      %dma_wait3A_120 = arith.constant 0 : i32
      %dma_wait3A_121 = tpu.memref_slice %arg10[%mul3A_11, %dma_wait3A_120] : memref<10000x128xf32, #tpu.memory_space<vmem_shared>> -> memref<624x128xf32, #tpu.memory_space<vmem_shared>>
      tpu.wait_dma2 semaphore(%run_scoped3A : memref<!tpu.dma_semaphore, #tpu.memory_space<semaphore_mem>>) src(%dma_wait3A_121 : memref<624x128xf32, #tpu.memory_space<vmem_shared>>) dst(%dma_wait3A_119 : memref<624x128xf32, #tpu.memory_space<hbm>>)
      tpu.yield
    }) : () -> ()
    %eq3A_109 = arith.constant 15 : i32
    %eq3A_110 = arith.cmpi eq, %arg1, %eq3A_109 : i32
    %convert_element_type3A_111 = arith.extui %eq3A_110 : i1 to i32
    %cond3A_112 = arith.constant 0 : i32
    %cond3A_113 = arith.cmpi ne, %convert_element_type3A_111, %cond3A_112 : i32
    scf.if %cond3A_113 {
      %mul3A_114 = arith.constant 10000 : i32
      %mul3A_115 = arith.muli %arg0, %mul3A_114 : i32
      %add3A_116 = arith.constant 9984 : i32
      %add3A_117 = arith.addi %mul3A_115, %add3A_116 : i32
      "tpu.region"() ({
        %run_scoped3A = tpu.sem_alloc : memref<!tpu.dma_semaphore, #tpu.memory_space<semaphore_mem>>
        %dma_start3A_118 = arith.constant 0 : i32
        %dma_start3A_119 = tpu.memref_slice %arg6[%add3A_117, %dma_start3A_118] : memref<20000x128xf32, #tpu.memory_space<hbm>> -> memref<16x128xf32, #tpu.memory_space<hbm>>
        %dma_start3A_120 = arith.constant 9984 : i32
        %dma_start3A_121 = arith.constant 0 : i32
        %dma_start3A_122 = tpu.memref_slice %arg10[%dma_start3A_120, %dma_start3A_121] : memref<10000x128xf32, #tpu.memory_space<vmem_shared>> -> memref<16x128xf32, #tpu.memory_space<vmem_shared>>
        tpu.enqueue_dma source(%dma_start3A_122 : memref<16x128xf32, #tpu.memory_space<vmem_shared>>) target(%dma_start3A_119 : memref<16x128xf32, #tpu.memory_space<hbm>>) target_semaphore(%run_scoped3A : memref<!tpu.dma_semaphore, #tpu.memory_space<semaphore_mem>>)
        %dma_wait3A_123 = arith.constant 0 : i32
        %dma_wait3A_124 = tpu.memref_slice %arg6[%add3A_117, %dma_wait3A_123] : memref<20000x128xf32, #tpu.memory_space<hbm>> -> memref<16x128xf32, #tpu.memory_space<hbm>>
        %dma_wait3A_125 = arith.constant 9984 : i32
        %dma_wait3A_126 = arith.constant 0 : i32
        %dma_wait3A_127 = tpu.memref_slice %arg10[%dma_wait3A_125, %dma_wait3A_126] : memref<10000x128xf32, #tpu.memory_space<vmem_shared>> -> memref<16x128xf32, #tpu.memory_space<vmem_shared>>
        tpu.wait_dma2 semaphore(%run_scoped3A : memref<!tpu.dma_semaphore, #tpu.memory_space<semaphore_mem>>) src(%dma_wait3A_127 : memref<16x128xf32, #tpu.memory_space<vmem_shared>>) dst(%dma_wait3A_124 : memref<16x128xf32, #tpu.memory_space<hbm>>)
        tpu.yield
      }) : () -> ()
    } else {
    }
    return
  }
}

module attributes {stable_mosaic.version = 14 : i64} {
  func.func @_lit_body(%arg0: i32, %arg1: memref<2000x128xf32, #tpu.memory_space<vmem>>, %arg2: memref<128x128xf32, #tpu.memory_space<vmem>>, %arg3: memref<1x128xf32, #tpu.memory_space<vmem>>, %arg4: memref<128x128xf32, #tpu.memory_space<vmem>>, %arg5: memref<1x128xf32, #tpu.memory_space<vmem>>, %arg6: memref<128x128xf32, #tpu.memory_space<vmem>>, %arg7: memref<1x128xf32, #tpu.memory_space<vmem>>, %arg8: memref<128x128xf32, #tpu.memory_space<vmem>>, %arg9: memref<1x128xf32, #tpu.memory_space<vmem>>, %arg10: memref<2x2000x128xf32, #tpu.memory_space<vmem>>) attributes {dimension_semantics = [#tpu.dimension_semantics<arbitrary>], iteration_bounds = array<i64: 5>, scalar_prefetch = 0 : i64, scratch_operands = 0 : i64, tpu.core_type = #tpu.core_type<tc>, window_params = [{transform_indices = @transform_0, window_bounds = array<i64: 2000, 128>}, {pipeline_mode = #tpu.pipeline_mode<synchronous>, transform_indices = @transform_1, window_bounds = array<i64: 128, 128>}, {pipeline_mode = #tpu.pipeline_mode<synchronous>, transform_indices = @transform_2, window_bounds = array<i64: 1, 128>}, {pipeline_mode = #tpu.pipeline_mode<synchronous>, transform_indices = @transform_3, window_bounds = array<i64: 128, 128>}, {pipeline_mode = #tpu.pipeline_mode<synchronous>, transform_indices = @transform_4, window_bounds = array<i64: 1, 128>}, {pipeline_mode = #tpu.pipeline_mode<synchronous>, transform_indices = @transform_5, window_bounds = array<i64: 128, 128>}, {pipeline_mode = #tpu.pipeline_mode<synchronous>, transform_indices = @transform_6, window_bounds = array<i64: 1, 128>}, {pipeline_mode = #tpu.pipeline_mode<synchronous>, transform_indices = @transform_7, window_bounds = array<i64: 128, 128>}, {pipeline_mode = #tpu.pipeline_mode<synchronous>, transform_indices = @transform_8, window_bounds = array<i64: 1, 128>}, {transform_indices = @transform_9, window_bounds = array<i64: 2, 2000, 128>}]} {
    %get3A = arith.constant 0 : index
    %get3A_0 = arith.constant 0 : index
    %get3A_1 = vector.load %arg1[%get3A, %get3A_0] : memref<2000x128xf32, #tpu.memory_space<vmem>>, vector<2000x128xf32>
    %get3A_2 = arith.constant 0 : index
    %get3A_3 = arith.constant 0 : index
    %get3A_4 = vector.load %arg2[%get3A_2, %get3A_3] : memref<128x128xf32, #tpu.memory_space<vmem>>, vector<128x128xf32>
    %get3A_5 = arith.constant 0 : index
    %get3A_6 = arith.constant 0 : index
    %get3A_7 = vector.load %arg3[%get3A_5, %get3A_6] : memref<1x128xf32, #tpu.memory_space<vmem>>, vector<1x128xf32>
    %get3A_8 = arith.constant 0 : index
    %get3A_9 = arith.constant 0 : index
    %get3A_10 = vector.load %arg4[%get3A_8, %get3A_9] : memref<128x128xf32, #tpu.memory_space<vmem>>, vector<128x128xf32>
    %get3A_11 = arith.constant 0 : index
    %get3A_12 = arith.constant 0 : index
    %get3A_13 = vector.load %arg5[%get3A_11, %get3A_12] : memref<1x128xf32, #tpu.memory_space<vmem>>, vector<1x128xf32>
    %dot_general3A = arith.constant dense<0.000000e+00> : vector<2000x128xf32>
    %dot_general3A_14 = tpu.matmul %get3A_1, %get3A_4, %dot_general3A {dimension_numbers = #tpu.dot_dimension_numbers<[1], [0], [0], [1], [0, 0, 1, 1], [], []>, transpose_lhs_hint = false} : vector<2000x128xf32>, vector<128x128xf32>, vector<2000x128xf32> -> vector<2000x128xf32>
    %add3A = vector.broadcast %get3A_7 : vector<1x128xf32> to vector<2000x128xf32>
    %add3A_15 = arith.addf %dot_general3A_14, %add3A : vector<2000x128xf32>
    %max3A = arith.constant 0.000000e+00 : f32
    %max3A_16 = vector.broadcast %max3A : f32 to vector<2000x128xf32>
    %max3A_17 = arith.maximumf %add3A_15, %max3A_16 : vector<2000x128xf32>
    %dot_general3A_18 = arith.constant dense<0.000000e+00> : vector<2000x128xf32>
    %dot_general3A_19 = tpu.matmul %max3A_17, %get3A_10, %dot_general3A_18 {dimension_numbers = #tpu.dot_dimension_numbers<[1], [0], [0], [1], [0, 0, 1, 1], [], []>, transpose_lhs_hint = false} : vector<2000x128xf32>, vector<128x128xf32>, vector<2000x128xf32> -> vector<2000x128xf32>
    %add3A_20 = vector.broadcast %get3A_13 : vector<1x128xf32> to vector<2000x128xf32>
    %add3A_21 = arith.addf %dot_general3A_19, %add3A_20 : vector<2000x128xf32>
    %max3A_22 = arith.constant 0.000000e+00 : f32
    %max3A_23 = vector.broadcast %max3A_22 : f32 to vector<2000x128xf32>
    %max3A_24 = arith.maximumf %add3A_21, %max3A_23 : vector<2000x128xf32>
    %swap3A = arith.constant 0 : index
    %swap3A_25 = arith.constant 0 : index
    %swap3A_26 = arith.constant 0 : index
    %swap3A_27 = vector.load %arg10[%swap3A, %swap3A_25, %swap3A_26] : memref<2x2000x128xf32, #tpu.memory_space<vmem>>, vector<1x2000x128xf32>
    %swap3A_28 = vector.shape_cast %swap3A_27 : vector<1x2000x128xf32> to vector<2000x128xf32>
    %swap3A_29 = vector.shape_cast %max3A_24 : vector<2000x128xf32> to vector<1x2000x128xf32>
    tpu.vector_store %arg10[%swap3A, %swap3A_25, %swap3A_26], %swap3A_29 {strides = array<i32>} : memref<2x2000x128xf32, #tpu.memory_space<vmem>>, vector<1x2000x128xf32>,
    %get3A_30 = arith.constant 0 : index
    %get3A_31 = arith.constant 0 : index
    %get3A_32 = vector.load %arg6[%get3A_30, %get3A_31] : memref<128x128xf32, #tpu.memory_space<vmem>>, vector<128x128xf32>
    %get3A_33 = arith.constant 0 : index
    %get3A_34 = arith.constant 0 : index
    %get3A_35 = vector.load %arg7[%get3A_33, %get3A_34] : memref<1x128xf32, #tpu.memory_space<vmem>>, vector<1x128xf32>
    %get3A_36 = arith.constant 0 : index
    %get3A_37 = arith.constant 0 : index
    %get3A_38 = vector.load %arg8[%get3A_36, %get3A_37] : memref<128x128xf32, #tpu.memory_space<vmem>>, vector<128x128xf32>
    %get3A_39 = arith.constant 0 : index
    %get3A_40 = arith.constant 0 : index
    %get3A_41 = vector.load %arg9[%get3A_39, %get3A_40] : memref<1x128xf32, #tpu.memory_space<vmem>>, vector<1x128xf32>
    %dot_general3A_42 = arith.constant dense<0.000000e+00> : vector<2000x128xf32>
    %dot_general3A_43 = tpu.matmul %get3A_1, %get3A_32, %dot_general3A_42 {dimension_numbers = #tpu.dot_dimension_numbers<[1], [0], [0], [1], [0, 0, 1, 1], [], []>, transpose_lhs_hint = false} : vector<2000x128xf32>, vector<128x128xf32>, vector<2000x128xf32> -> vector<2000x128xf32>
    %add3A_44 = vector.broadcast %get3A_35 : vector<1x128xf32> to vector<2000x128xf32>
    %add3A_45 = arith.addf %dot_general3A_43, %add3A_44 : vector<2000x128xf32>
    %max3A_46 = arith.constant 0.000000e+00 : f32
    %max3A_47 = vector.broadcast %max3A_46 : f32 to vector<2000x128xf32>
    %max3A_48 = arith.maximumf %add3A_45, %max3A_47 : vector<2000x128xf32>
    %dot_general3A_49 = arith.constant dense<0.000000e+00> : vector<2000x128xf32>
    %dot_general3A_50 = tpu.matmul %max3A_48, %get3A_38, %dot_general3A_49 {dimension_numbers = #tpu.dot_dimension_numbers<[1], [0], [0], [1], [0, 0, 1, 1], [], []>, transpose_lhs_hint = false} : vector<2000x128xf32>, vector<128x128xf32>, vector<2000x128xf32> -> vector<2000x128xf32>
    %add3A_51 = vector.broadcast %get3A_41 : vector<1x128xf32> to vector<2000x128xf32>
    %add3A_52 = arith.addf %dot_general3A_50, %add3A_51 : vector<2000x128xf32>
    %max3A_53 = arith.constant 0.000000e+00 : f32
    %max3A_54 = vector.broadcast %max3A_53 : f32 to vector<2000x128xf32>
    %max3A_55 = arith.maximumf %add3A_52, %max3A_54 : vector<2000x128xf32>
    %swap3A_56 = arith.constant 1 : index
    %swap3A_57 = arith.constant 0 : index
    %swap3A_58 = arith.constant 0 : index
    %swap3A_59 = vector.load %arg10[%swap3A_56, %swap3A_57, %swap3A_58] : memref<2x2000x128xf32, #tpu.memory_space<vmem>>, vector<1x2000x128xf32>
    %swap3A_60 = vector.shape_cast %swap3A_59 : vector<1x2000x128xf32> to vector<2000x128xf32>
    %swap3A_61 = vector.shape_cast %max3A_55 : vector<2000x128xf32> to vector<1x2000x128xf32>
    tpu.vector_store %arg10[%swap3A_56, %swap3A_57, %swap3A_58], %swap3A_61 {strides = array<i32>} : memref<2x2000x128xf32, #tpu.memory_space<vmem>>, vector<1x2000x128xf32>,
    return
  }
  func.func @transform_0(%arg0: i32) -> (i32, i32) {
    %c0_i32 = arith.constant 0 : i32
    %c0_i32_0 = arith.constant 0 : i32
    return %arg0, %c0_i32 : i32, i32
  }
  func.func @transform_1(%arg0: i32) -> (i32, i32) {
    %c0_i32 = arith.constant 0 : i32
    %c0_i32_0 = arith.constant 0 : i32
    %c0_i32_1 = arith.constant 0 : i32
    return %c0_i32, %c0_i32_0 : i32, i32
  }
  func.func @transform_2(%arg0: i32) -> (i32, i32) {
    %c0_i32 = arith.constant 0 : i32
    %c0_i32_0 = arith.constant 0 : i32
    %c0_i32_1 = arith.constant 0 : i32
    return %c0_i32, %c0_i32_0 : i32, i32
  }
  func.func @transform_3(%arg0: i32) -> (i32, i32) {
    %c0_i32 = arith.constant 0 : i32
    %c0_i32_0 = arith.constant 0 : i32
    %c0_i32_1 = arith.constant 0 : i32
    return %c0_i32, %c0_i32_0 : i32, i32
  }
  func.func @transform_4(%arg0: i32) -> (i32, i32) {
    %c0_i32 = arith.constant 0 : i32
    %c0_i32_0 = arith.constant 0 : i32
    %c0_i32_1 = arith.constant 0 : i32
    return %c0_i32, %c0_i32_0 : i32, i32
  }
  func.func @transform_5(%arg0: i32) -> (i32, i32) {
    %c0_i32 = arith.constant 0 : i32
    %c0_i32_0 = arith.constant 0 : i32
    %c0_i32_1 = arith.constant 0 : i32
    return %c0_i32, %c0_i32_0 : i32, i32
  }
  func.func @transform_6(%arg0: i32) -> (i32, i32) {
    %c0_i32 = arith.constant 0 : i32
    %c0_i32_0 = arith.constant 0 : i32
    %c0_i32_1 = arith.constant 0 : i32
    return %c0_i32, %c0_i32_0 : i32, i32
  }
  func.func @transform_7(%arg0: i32) -> (i32, i32) {
    %c0_i32 = arith.constant 0 : i32
    %c0_i32_0 = arith.constant 0 : i32
    %c0_i32_1 = arith.constant 0 : i32
    return %c0_i32, %c0_i32_0 : i32, i32
  }
  func.func @transform_8(%arg0: i32) -> (i32, i32) {
    %c0_i32 = arith.constant 0 : i32
    %c0_i32_0 = arith.constant 0 : i32
    %c0_i32_1 = arith.constant 0 : i32
    return %c0_i32, %c0_i32_0 : i32, i32
  }
  func.func @transform_9(%arg0: i32) -> (i32, i32, i32) {
    %c0_i32 = arith.constant 0 : i32
    %c0_i32_0 = arith.constant 0 : i32
    %c0_i32_1 = arith.constant 0 : i32
    return %c0_i32, %arg0, %c0_i32_0 : i32, i32, i32
  }
}

module attributes {stable_mosaic.version = 14 : i64} {
  func.func @_mid_body(%arg0: i32, %arg1: memref<2000x128xf32, #tpu.memory_space<vmem>>, %arg2: memref<2000x128xf32, #tpu.memory_space<vmem>>, %arg3: memref<2000x128xf32, #tpu.memory_space<vmem>>, %arg4: memref<256x128xf32, #tpu.memory_space<vmem>>, %arg5: memref<1x128xf32, #tpu.memory_space<vmem>>, %arg6: memref<128x128xf32, #tpu.memory_space<vmem>>, %arg7: memref<1x128xf32, #tpu.memory_space<vmem>>, %arg8: memref<128x128xf32, #tpu.memory_space<vmem>>, %arg9: memref<1x128xf32, #tpu.memory_space<vmem>>, %arg10: memref<128x128xf32, #tpu.memory_space<vmem>>, %arg11: memref<1x128xf32, #tpu.memory_space<vmem>>, %arg12: memref<128x128xf32, #tpu.memory_space<vmem>>, %arg13: memref<1x128xf32, #tpu.memory_space<vmem>>, %arg14: memref<128x128xf32, #tpu.memory_space<vmem>>, %arg15: memref<1x128xf32, #tpu.memory_space<vmem>>, %arg16: memref<2000x128xf32, #tpu.memory_space<vmem>>, %arg17: memref<2x2000x128xf32, #tpu.memory_space<vmem>>) attributes {dimension_semantics = [#tpu.dimension_semantics<arbitrary>], iteration_bounds = array<i64: 5>, scalar_prefetch = 0 : i64, scratch_operands = 0 : i64, tpu.core_type = #tpu.core_type<tc>, window_params = [{transform_indices = @transform_0, window_bounds = array<i64: 2000, 128>}, {transform_indices = @transform_1, window_bounds = array<i64: 2000, 128>}, {transform_indices = @transform_2, window_bounds = array<i64: 2000, 128>}, {pipeline_mode = #tpu.pipeline_mode<synchronous>, transform_indices = @transform_3, window_bounds = array<i64: 256, 128>}, {pipeline_mode = #tpu.pipeline_mode<synchronous>, transform_indices = @transform_4, window_bounds = array<i64: 1, 128>}, {pipeline_mode = #tpu.pipeline_mode<synchronous>, transform_indices = @transform_5, window_bounds = array<i64: 128, 128>}, {pipeline_mode = #tpu.pipeline_mode<synchronous>, transform_indices = @transform_6, window_bounds = array<i64: 1, 128>}, {pipeline_mode = #tpu.pipeline_mode<synchronous>, transform_indices = @transform_7, window_bounds = array<i64: 128, 128>}, {pipeline_mode = #tpu.pipeline_mode<synchronous>, transform_indices = @transform_8, window_bounds = array<i64: 1, 128>}, {pipeline_mode = #tpu.pipeline_mode<synchronous>, transform_indices = @transform_9, window_bounds = array<i64: 128, 128>}, {pipeline_mode = #tpu.pipeline_mode<synchronous>, transform_indices = @transform_10, window_bounds = array<i64: 1, 128>}, {pipeline_mode = #tpu.pipeline_mode<synchronous>, transform_indices = @transform_11, window_bounds = array<i64: 128, 128>}, {pipeline_mode = #tpu.pipeline_mode<synchronous>, transform_indices = @transform_12, window_bounds = array<i64: 1, 128>}, {pipeline_mode = #tpu.pipeline_mode<synchronous>, transform_indices = @transform_13, window_bounds = array<i64: 128, 128>}, {pipeline_mode = #tpu.pipeline_mode<synchronous>, transform_indices = @transform_14, window_bounds = array<i64: 1, 128>}, {transform_indices = @transform_15, window_bounds = array<i64: 2000, 128>}, {transform_indices = @transform_16, window_bounds = array<i64: 2, 2000, 128>}]} {
    %get3A = arith.constant 0 : index
    %get3A_0 = arith.constant 0 : index
    %get3A_1 = vector.load %arg2[%get3A, %get3A_0] : memref<2000x128xf32, #tpu.memory_space<vmem>>, vector<2000x128xf32>
    %get3A_2 = arith.constant 0 : index
    %get3A_3 = arith.constant 0 : index
    %get3A_4 = vector.load %arg3[%get3A_2, %get3A_3] : memref<2000x128xf32, #tpu.memory_space<vmem>>, vector<2000x128xf32>
    %add3A = arith.addf %get3A_1, %get3A_4 : vector<2000x128xf32>
    %get3A_5 = arith.constant 0 : index
    %get3A_6 = arith.constant 0 : index
    %get3A_7 = vector.load %arg1[%get3A_5, %get3A_6] : memref<2000x128xf32, #tpu.memory_space<vmem>>, vector<2000x128xf32>
    %get3A_8 = arith.constant 0 : index
    %get3A_9 = arith.constant 0 : index
    %get3A_10 = vector.load %arg4[%get3A_8, %get3A_9] : memref<256x128xf32, #tpu.memory_space<vmem>>, vector<128x128xf32>
    %dot_general3A = arith.constant dense<0.000000e+00> : vector<2000x128xf32>
    %dot_general3A_11 = tpu.matmul %get3A_7, %get3A_10, %dot_general3A {dimension_numbers = #tpu.dot_dimension_numbers<[1], [0], [0], [1], [0, 0, 1, 1], [], []>, transpose_lhs_hint = false} : vector<2000x128xf32>, vector<128x128xf32>, vector<2000x128xf32> -> vector<2000x128xf32>
    %get3A_12 = arith.constant 128 : index
    %get3A_13 = arith.constant 0 : index
    %get3A_14 = vector.load %arg4[%get3A_12, %get3A_13] : memref<256x128xf32, #tpu.memory_space<vmem>>, vector<128x128xf32>
    %dot_general3A_15 = arith.constant dense<0.000000e+00> : vector<2000x128xf32>
    %dot_general3A_16 = tpu.matmul %add3A, %get3A_14, %dot_general3A_15 {dimension_numbers = #tpu.dot_dimension_numbers<[1], [0], [0], [1], [0, 0, 1, 1], [], []>, transpose_lhs_hint = false} : vector<2000x128xf32>, vector<128x128xf32>, vector<2000x128xf32> -> vector<2000x128xf32>
    %add3A_17 = arith.addf %dot_general3A_11, %dot_general3A_16 : vector<2000x128xf32>
    %get3A_18 = arith.constant 0 : index
    %get3A_19 = arith.constant 0 : index
    %get3A_20 = vector.load %arg5[%get3A_18, %get3A_19] : memref<1x128xf32, #tpu.memory_space<vmem>>, vector<1x128xf32>
    %add3A_21 = vector.broadcast %get3A_20 : vector<1x128xf32> to vector<2000x128xf32>
    %add3A_22 = arith.addf %add3A_17, %add3A_21 : vector<2000x128xf32>
    %max3A = arith.constant 0.000000e+00 : f32
    %max3A_23 = vector.broadcast %max3A : f32 to vector<2000x128xf32>
    %max3A_24 = arith.maximumf %add3A_22, %max3A_23 : vector<2000x128xf32>
    %get3A_25 = arith.constant 0 : index
    %get3A_26 = arith.constant 0 : index
    %get3A_27 = vector.load %arg6[%get3A_25, %get3A_26] : memref<128x128xf32, #tpu.memory_space<vmem>>, vector<128x128xf32>
    %dot_general3A_28 = arith.constant dense<0.000000e+00> : vector<2000x128xf32>
    %dot_general3A_29 = tpu.matmul %max3A_24, %get3A_27, %dot_general3A_28 {dimension_numbers = #tpu.dot_dimension_numbers<[1], [0], [0], [1], [0, 0, 1, 1], [], []>, transpose_lhs_hint = false} : vector<2000x128xf32>, vector<128x128xf32>, vector<2000x128xf32> -> vector<2000x128xf32>
    %get3A_30 = arith.constant 0 : index
    %get3A_31 = arith.constant 0 : index
    %get3A_32 = vector.load %arg7[%get3A_30, %get3A_31] : memref<1x128xf32, #tpu.memory_space<vmem>>, vector<1x128xf32>
    %add3A_33 = vector.broadcast %get3A_32 : vector<1x128xf32> to vector<2000x128xf32>
    %add3A_34 = arith.addf %dot_general3A_29, %add3A_33 : vector<2000x128xf32>
    %max3A_35 = arith.constant 0.000000e+00 : f32
    %max3A_36 = vector.broadcast %max3A_35 : f32 to vector<2000x128xf32>
    %max3A_37 = arith.maximumf %add3A_34, %max3A_36 : vector<2000x128xf32>
    %swap3A = arith.constant 0 : index
    %swap3A_38 = arith.constant 0 : index
    %swap3A_39 = vector.load %arg16[%swap3A, %swap3A_38] : memref<2000x128xf32, #tpu.memory_space<vmem>>, vector<2000x128xf32>
    tpu.vector_store %arg16[%swap3A, %swap3A_38], %max3A_37 {strides = array<i32>} : memref<2000x128xf32, #tpu.memory_space<vmem>>, vector<2000x128xf32>,
    %get3A_40 = arith.constant 0 : index
    %get3A_41 = arith.constant 0 : index
    %get3A_42 = vector.load %arg8[%get3A_40, %get3A_41] : memref<128x128xf32, #tpu.memory_space<vmem>>, vector<128x128xf32>
    %get3A_43 = arith.constant 0 : index
    %get3A_44 = arith.constant 0 : index
    %get3A_45 = vector.load %arg9[%get3A_43, %get3A_44] : memref<1x128xf32, #tpu.memory_space<vmem>>, vector<1x128xf32>
    %get3A_46 = arith.constant 0 : index
    %get3A_47 = arith.constant 0 : index
    %get3A_48 = vector.load %arg10[%get3A_46, %get3A_47] : memref<128x128xf32, #tpu.memory_space<vmem>>, vector<128x128xf32>
    %get3A_49 = arith.constant 0 : index
    %get3A_50 = arith.constant 0 : index
    %get3A_51 = vector.load %arg11[%get3A_49, %get3A_50] : memref<1x128xf32, #tpu.memory_space<vmem>>, vector<1x128xf32>
    %dot_general3A_52 = arith.constant dense<0.000000e+00> : vector<2000x128xf32>
    %dot_general3A_53 = tpu.matmul %max3A_37, %get3A_42, %dot_general3A_52 {dimension_numbers = #tpu.dot_dimension_numbers<[1], [0], [0], [1], [0, 0, 1, 1], [], []>, transpose_lhs_hint = false} : vector<2000x128xf32>, vector<128x128xf32>, vector<2000x128xf32> -> vector<2000x128xf32>
    %add3A_54 = vector.broadcast %get3A_45 : vector<1x128xf32> to vector<2000x128xf32>
    %add3A_55 = arith.addf %dot_general3A_53, %add3A_54 : vector<2000x128xf32>
    %max3A_56 = arith.constant 0.000000e+00 : f32
    %max3A_57 = vector.broadcast %max3A_56 : f32 to vector<2000x128xf32>
    %max3A_58 = arith.maximumf %add3A_55, %max3A_57 : vector<2000x128xf32>
    %dot_general3A_59 = arith.constant dense<0.000000e+00> : vector<2000x128xf32>
    %dot_general3A_60 = tpu.matmul %max3A_58, %get3A_48, %dot_general3A_59 {dimension_numbers = #tpu.dot_dimension_numbers<[1], [0], [0], [1], [0, 0, 1, 1], [], []>, transpose_lhs_hint = false} : vector<2000x128xf32>, vector<128x128xf32>, vector<2000x128xf32> -> vector<2000x128xf32>
    %add3A_61 = vector.broadcast %get3A_51 : vector<1x128xf32> to vector<2000x128xf32>
    %add3A_62 = arith.addf %dot_general3A_60, %add3A_61 : vector<2000x128xf32>
    %max3A_63 = arith.constant 0.000000e+00 : f32
    %max3A_64 = vector.broadcast %max3A_63 : f32 to vector<2000x128xf32>
    %max3A_65 = arith.maximumf %add3A_62, %max3A_64 : vector<2000x128xf32>
    %swap3A_66 = arith.constant 0 : index
    %swap3A_67 = arith.constant 0 : index
    %swap3A_68 = arith.constant 0 : index
    %swap3A_69 = vector.load %arg17[%swap3A_66, %swap3A_67, %swap3A_68] : memref<2x2000x128xf32, #tpu.memory_space<vmem>>, vector<1x2000x128xf32>
    %swap3A_70 = vector.shape_cast %swap3A_69 : vector<1x2000x128xf32> to vector<2000x128xf32>
    %swap3A_71 = vector.shape_cast %max3A_65 : vector<2000x128xf32> to vector<1x2000x128xf32>
    tpu.vector_store %arg17[%swap3A_66, %swap3A_67, %swap3A_68], %swap3A_71 {strides = array<i32>} : memref<2x2000x128xf32, #tpu.memory_space<vmem>>, vector<1x2000x128xf32>,
    %get3A_72 = arith.constant 0 : index
    %get3A_73 = arith.constant 0 : index
    %get3A_74 = vector.load %arg12[%get3A_72, %get3A_73] : memref<128x128xf32, #tpu.memory_space<vmem>>, vector<128x128xf32>
    %get3A_75 = arith.constant 0 : index
    %get3A_76 = arith.constant 0 : index
    %get3A_77 = vector.load %arg13[%get3A_75, %get3A_76] : memref<1x128xf32, #tpu.memory_space<vmem>>, vector<1x128xf32>
    %get3A_78 = arith.constant 0 : index
    %get3A_79 = arith.constant 0 : index
    %get3A_80 = vector.load %arg14[%get3A_78, %get3A_79] : memref<128x128xf32, #tpu.memory_space<vmem>>, vector<128x128xf32>
    %get3A_81 = arith.constant 0 : index
    %get3A_82 = arith.constant 0 : index
    %get3A_83 = vector.load %arg15[%get3A_81, %get3A_82] : memref<1x128xf32, #tpu.memory_space<vmem>>, vector<1x128xf32>
    %dot_general3A_84 = arith.constant dense<0.000000e+00> : vector<2000x128xf32>
    %dot_general3A_85 = tpu.matmul %max3A_37, %get3A_74, %dot_general3A_84 {dimension_numbers = #tpu.dot_dimension_numbers<[1], [0], [0], [1], [0, 0, 1, 1], [], []>, transpose_lhs_hint = false} : vector<2000x128xf32>, vector<128x128xf32>, vector<2000x128xf32> -> vector<2000x128xf32>
    %add3A_86 = vector.broadcast %get3A_77 : vector<1x128xf32> to vector<2000x128xf32>
    %add3A_87 = arith.addf %dot_general3A_85, %add3A_86 : vector<2000x128xf32>
    %max3A_88 = arith.constant 0.000000e+00 : f32
    %max3A_89 = vector.broadcast %max3A_88 : f32 to vector<2000x128xf32>
    %max3A_90 = arith.maximumf %add3A_87, %max3A_89 : vector<2000x128xf32>
    %dot_general3A_91 = arith.constant dense<0.000000e+00> : vector<2000x128xf32>
    %dot_general3A_92 = tpu.matmul %max3A_90, %get3A_80, %dot_general3A_91 {dimension_numbers = #tpu.dot_dimension_numbers<[1], [0], [0], [1], [0, 0, 1, 1], [], []>, transpose_lhs_hint = false} : vector<2000x128xf32>, vector<128x128xf32>, vector<2000x128xf32> -> vector<2000x128xf32>
    %add3A_93 = vector.broadcast %get3A_83 : vector<1x128xf32> to vector<2000x128xf32>
    %add3A_94 = arith.addf %dot_general3A_92, %add3A_93 : vector<2000x128xf32>
    %max3A_95 = arith.constant 0.000000e+00 : f32
    %max3A_96 = vector.broadcast %max3A_95 : f32 to vector<2000x128xf32>
    %max3A_97 = arith.maximumf %add3A_94, %max3A_96 : vector<2000x128xf32>
    %swap3A_98 = arith.constant 1 : index
    %swap3A_99 = arith.constant 0 : index
    %swap3A_100 = arith.constant 0 : index
    %swap3A_101 = vector.load %arg17[%swap3A_98, %swap3A_99, %swap3A_100] : memref<2x2000x128xf32, #tpu.memory_space<vmem>>, vector<1x2000x128xf32>
    %swap3A_102 = vector.shape_cast %swap3A_101 : vector<1x2000x128xf32> to vector<2000x128xf32>
    %swap3A_103 = vector.shape_cast %max3A_97 : vector<2000x128xf32> to vector<1x2000x128xf32>
    tpu.vector_store %arg17[%swap3A_98, %swap3A_99, %swap3A_100], %swap3A_103 {strides = array<i32>} : memref<2x2000x128xf32, #tpu.memory_space<vmem>>, vector<1x2000x128xf32>,
    return
  }
  func.func @transform_0(%arg0: i32) -> (i32, i32) {
    %c0_i32 = arith.constant 0 : i32
    %c0_i32_0 = arith.constant 0 : i32
    return %arg0, %c0_i32 : i32, i32
  }
  func.func @transform_1(%arg0: i32) -> (i32, i32) {
    %c0_i32 = arith.constant 0 : i32
    %c0_i32_0 = arith.constant 0 : i32
    return %arg0, %c0_i32 : i32, i32
  }
  func.func @transform_2(%arg0: i32) -> (i32, i32) {
    %add3A = arith.constant 5 : i32
    %add3A_0 = arith.addi %add3A, %arg0 : i32
    %c0_i32 = arith.constant 0 : i32
    %c0_i32_1 = arith.constant 0 : i32
    return %add3A_0, %c0_i32 : i32, i32
  }
  func.func @transform_3(%arg0: i32) -> (i32, i32) {
    %c0_i32 = arith.constant 0 : i32
    %c0_i32_0 = arith.constant 0 : i32
    %c0_i32_1 = arith.constant 0 : i32
    return %c0_i32, %c0_i32_0 : i32, i32
  }
  func.func @transform_4(%arg0: i32) -> (i32, i32) {
    %c0_i32 = arith.constant 0 : i32
    %c0_i32_0 = arith.constant 0 : i32
    %c0_i32_1 = arith.constant 0 : i32
    return %c0_i32, %c0_i32_0 : i32, i32
  }
  func.func @transform_5(%arg0: i32) -> (i32, i32) {
    %c0_i32 = arith.constant 0 : i32
    %c0_i32_0 = arith.constant 0 : i32
    %c0_i32_1 = arith.constant 0 : i32
    return %c0_i32, %c0_i32_0 : i32, i32
  }
  func.func @transform_6(%arg0: i32) -> (i32, i32) {
    %c0_i32 = arith.constant 0 : i32
    %c0_i32_0 = arith.constant 0 : i32
    %c0_i32_1 = arith.constant 0 : i32
    return %c0_i32, %c0_i32_0 : i32, i32
  }
  func.func @transform_7(%arg0: i32) -> (i32, i32) {
    %c0_i32 = arith.constant 0 : i32
    %c0_i32_0 = arith.constant 0 : i32
    %c0_i32_1 = arith.constant 0 : i32
    return %c0_i32, %c0_i32_0 : i32, i32
  }
  func.func @transform_8(%arg0: i32) -> (i32, i32) {
    %c0_i32 = arith.constant 0 : i32
    %c0_i32_0 = arith.constant 0 : i32
    %c0_i32_1 = arith.constant 0 : i32
    return %c0_i32, %c0_i32_0 : i32, i32
  }
  func.func @transform_9(%arg0: i32) -> (i32, i32) {
    %c0_i32 = arith.constant 0 : i32
    %c0_i32_0 = arith.constant 0 : i32
    %c0_i32_1 = arith.constant 0 : i32
    return %c0_i32, %c0_i32_0 : i32, i32
  }
  func.func @transform_10(%arg0: i32) -> (i32, i32) {
    %c0_i32 = arith.constant 0 : i32
    %c0_i32_0 = arith.constant 0 : i32
    %c0_i32_1 = arith.constant 0 : i32
    return %c0_i32, %c0_i32_0 : i32, i32
  }
  func.func @transform_11(%arg0: i32) -> (i32, i32) {
    %c0_i32 = arith.constant 0 : i32
    %c0_i32_0 = arith.constant 0 : i32
    %c0_i32_1 = arith.constant 0 : i32
    return %c0_i32, %c0_i32_0 : i32, i32
  }
  func.func @transform_12(%arg0: i32) -> (i32, i32) {
    %c0_i32 = arith.constant 0 : i32
    %c0_i32_0 = arith.constant 0 : i32
    %c0_i32_1 = arith.constant 0 : i32
    return %c0_i32, %c0_i32_0 : i32, i32
  }
  func.func @transform_13(%arg0: i32) -> (i32, i32) {
    %c0_i32 = arith.constant 0 : i32
    %c0_i32_0 = arith.constant 0 : i32
    %c0_i32_1 = arith.constant 0 : i32
    return %c0_i32, %c0_i32_0 : i32, i32
  }
  func.func @transform_14(%arg0: i32) -> (i32, i32) {
    %c0_i32 = arith.constant 0 : i32
    %c0_i32_0 = arith.constant 0 : i32
    %c0_i32_1 = arith.constant 0 : i32
    return %c0_i32, %c0_i32_0 : i32, i32
  }
  func.func @transform_15(%arg0: i32) -> (i32, i32) {
    %c0_i32 = arith.constant 0 : i32
    %c0_i32_0 = arith.constant 0 : i32
    return %arg0, %c0_i32 : i32, i32
  }
  func.func @transform_16(%arg0: i32) -> (i32, i32, i32) {
    %c0_i32 = arith.constant 0 : i32
    %c0_i32_0 = arith.constant 0 : i32
    %c0_i32_1 = arith.constant 0 : i32
    return %c0_i32, %arg0, %c0_i32_0 : i32, i32, i32
  }
}

module attributes {stable_mosaic.version = 14 : i64} {
  func.func @_update_body(%arg0: i32, %arg1: memref<2000x128xf32, #tpu.memory_space<vmem>>, %arg2: memref<2000x128xf32, #tpu.memory_space<vmem>>, %arg3: memref<2000x128xf32, #tpu.memory_space<vmem>>, %arg4: memref<256x128xf32, #tpu.memory_space<vmem>>, %arg5: memref<1x128xf32, #tpu.memory_space<vmem>>, %arg6: memref<128x128xf32, #tpu.memory_space<vmem>>, %arg7: memref<1x128xf32, #tpu.memory_space<vmem>>, %arg8: memref<2000x128xf32, #tpu.memory_space<vmem>>) attributes {dimension_semantics = [#tpu.dimension_semantics<arbitrary>], iteration_bounds = array<i64: 5>, scalar_prefetch = 0 : i64, scratch_operands = 0 : i64, tpu.core_type = #tpu.core_type<tc>, window_params = [{transform_indices = @transform_0, window_bounds = array<i64: 2000, 128>}, {transform_indices = @transform_1, window_bounds = array<i64: 2000, 128>}, {transform_indices = @transform_2, window_bounds = array<i64: 2000, 128>}, {pipeline_mode = #tpu.pipeline_mode<synchronous>, transform_indices = @transform_3, window_bounds = array<i64: 256, 128>}, {pipeline_mode = #tpu.pipeline_mode<synchronous>, transform_indices = @transform_4, window_bounds = array<i64: 1, 128>}, {pipeline_mode = #tpu.pipeline_mode<synchronous>, transform_indices = @transform_5, window_bounds = array<i64: 128, 128>}, {pipeline_mode = #tpu.pipeline_mode<synchronous>, transform_indices = @transform_6, window_bounds = array<i64: 1, 128>}, {transform_indices = @transform_7, window_bounds = array<i64: 2000, 128>}]} {
    %get3A = arith.constant 0 : index
    %get3A_0 = arith.constant 0 : index
    %get3A_1 = vector.load %arg2[%get3A, %get3A_0] : memref<2000x128xf32, #tpu.memory_space<vmem>>, vector<2000x128xf32>
    %get3A_2 = arith.constant 0 : index
    %get3A_3 = arith.constant 0 : index
    %get3A_4 = vector.load %arg3[%get3A_2, %get3A_3] : memref<2000x128xf32, #tpu.memory_space<vmem>>, vector<2000x128xf32>
    %add3A = arith.addf %get3A_1, %get3A_4 : vector<2000x128xf32>
    %get3A_5 = arith.constant 0 : index
    %get3A_6 = arith.constant 0 : index
    %get3A_7 = vector.load %arg1[%get3A_5, %get3A_6] : memref<2000x128xf32, #tpu.memory_space<vmem>>, vector<2000x128xf32>
    %get3A_8 = arith.constant 0 : index
    %get3A_9 = arith.constant 0 : index
    %get3A_10 = vector.load %arg4[%get3A_8, %get3A_9] : memref<256x128xf32, #tpu.memory_space<vmem>>, vector<128x128xf32>
    %dot_general3A = arith.constant dense<0.000000e+00> : vector<2000x128xf32>
    %dot_general3A_11 = tpu.matmul %get3A_7, %get3A_10, %dot_general3A {dimension_numbers = #tpu.dot_dimension_numbers<[1], [0], [0], [1], [0, 0, 1, 1], [], []>, transpose_lhs_hint = false} : vector<2000x128xf32>, vector<128x128xf32>, vector<2000x128xf32> -> vector<2000x128xf32>
    %get3A_12 = arith.constant 128 : index
    %get3A_13 = arith.constant 0 : index
    %get3A_14 = vector.load %arg4[%get3A_12, %get3A_13] : memref<256x128xf32, #tpu.memory_space<vmem>>, vector<128x128xf32>
    %dot_general3A_15 = arith.constant dense<0.000000e+00> : vector<2000x128xf32>
    %dot_general3A_16 = tpu.matmul %add3A, %get3A_14, %dot_general3A_15 {dimension_numbers = #tpu.dot_dimension_numbers<[1], [0], [0], [1], [0, 0, 1, 1], [], []>, transpose_lhs_hint = false} : vector<2000x128xf32>, vector<128x128xf32>, vector<2000x128xf32> -> vector<2000x128xf32>
    %add3A_17 = arith.addf %dot_general3A_11, %dot_general3A_16 : vector<2000x128xf32>
    %get3A_18 = arith.constant 0 : index
    %get3A_19 = arith.constant 0 : index
    %get3A_20 = vector.load %arg5[%get3A_18, %get3A_19] : memref<1x128xf32, #tpu.memory_space<vmem>>, vector<1x128xf32>
    %add3A_21 = vector.broadcast %get3A_20 : vector<1x128xf32> to vector<2000x128xf32>
    %add3A_22 = arith.addf %add3A_17, %add3A_21 : vector<2000x128xf32>
    %max3A = arith.constant 0.000000e+00 : f32
    %max3A_23 = vector.broadcast %max3A : f32 to vector<2000x128xf32>
    %max3A_24 = arith.maximumf %add3A_22, %max3A_23 : vector<2000x128xf32>
    %get3A_25 = arith.constant 0 : index
    %get3A_26 = arith.constant 0 : index
    %get3A_27 = vector.load %arg6[%get3A_25, %get3A_26] : memref<128x128xf32, #tpu.memory_space<vmem>>, vector<128x128xf32>
    %dot_general3A_28 = arith.constant dense<0.000000e+00> : vector<2000x128xf32>
    %dot_general3A_29 = tpu.matmul %max3A_24, %get3A_27, %dot_general3A_28 {dimension_numbers = #tpu.dot_dimension_numbers<[1], [0], [0], [1], [0, 0, 1, 1], [], []>, transpose_lhs_hint = false} : vector<2000x128xf32>, vector<128x128xf32>, vector<2000x128xf32> -> vector<2000x128xf32>
    %get3A_30 = arith.constant 0 : index
    %get3A_31 = arith.constant 0 : index
    %get3A_32 = vector.load %arg7[%get3A_30, %get3A_31] : memref<1x128xf32, #tpu.memory_space<vmem>>, vector<1x128xf32>
    %add3A_33 = vector.broadcast %get3A_32 : vector<1x128xf32> to vector<2000x128xf32>
    %add3A_34 = arith.addf %dot_general3A_29, %add3A_33 : vector<2000x128xf32>
    %max3A_35 = arith.constant 0.000000e+00 : f32
    %max3A_36 = vector.broadcast %max3A_35 : f32 to vector<2000x128xf32>
    %max3A_37 = arith.maximumf %add3A_34, %max3A_36 : vector<2000x128xf32>
    %swap3A = arith.constant 0 : index
    %swap3A_38 = arith.constant 0 : index
    %swap3A_39 = vector.load %arg8[%swap3A, %swap3A_38] : memref<2000x128xf32, #tpu.memory_space<vmem>>, vector<2000x128xf32>
    tpu.vector_store %arg8[%swap3A, %swap3A_38], %max3A_37 {strides = array<i32>} : memref<2000x128xf32, #tpu.memory_space<vmem>>, vector<2000x128xf32>,
    return
  }
  func.func @transform_0(%arg0: i32) -> (i32, i32) {
    %c0_i32 = arith.constant 0 : i32
    %c0_i32_0 = arith.constant 0 : i32
    return %arg0, %c0_i32 : i32, i32
  }
  func.func @transform_1(%arg0: i32) -> (i32, i32) {
    %c0_i32 = arith.constant 0 : i32
    %c0_i32_0 = arith.constant 0 : i32
    return %arg0, %c0_i32 : i32, i32
  }
  func.func @transform_2(%arg0: i32) -> (i32, i32) {
    %add3A = arith.constant 5 : i32
    %add3A_0 = arith.addi %add3A, %arg0 : i32
    %c0_i32 = arith.constant 0 : i32
    %c0_i32_1 = arith.constant 0 : i32
    return %add3A_0, %c0_i32 : i32, i32
  }
  func.func @transform_3(%arg0: i32) -> (i32, i32) {
    %c0_i32 = arith.constant 0 : i32
    %c0_i32_0 = arith.constant 0 : i32
    %c0_i32_1 = arith.constant 0 : i32
    return %c0_i32, %c0_i32_0 : i32, i32
  }
  func.func @transform_4(%arg0: i32) -> (i32, i32) {
    %c0_i32 = arith.constant 0 : i32
    %c0_i32_0 = arith.constant 0 : i32
    %c0_i32_1 = arith.constant 0 : i32
    return %c0_i32, %c0_i32_0 : i32, i32
  }
  func.func @transform_5(%arg0: i32) -> (i32, i32) {
    %c0_i32 = arith.constant 0 : i32
    %c0_i32_0 = arith.constant 0 : i32
    %c0_i32_1 = arith.constant 0 : i32
    return %c0_i32, %c0_i32_0 : i32, i32
  }
  func.func @transform_6(%arg0: i32) -> (i32, i32) {
    %c0_i32 = arith.constant 0 : i32
    %c0_i32_0 = arith.constant 0 : i32
    %c0_i32_1 = arith.constant 0 : i32
    return %c0_i32, %c0_i32_0 : i32, i32
  }
  func.func @transform_7(%arg0: i32) -> (i32, i32) {
    %c0_i32 = arith.constant 0 : i32
    %c0_i32_0 = arith.constant 0 : i32
    return %arg0, %c0_i32 : i32, i32
  }
}

</mosaic_0001>

<sc_bundles>
// kernel: kernel.10.cloned.1.call-start
scs
__scs_entry_jumppad:
0x0: {  	(pc) =	sbr.rel $0x88, $3  }
0x1: {  	(tag) =	ssettag $0x0;
	lr =	simm.s32 $0x1  }
0x2: {  	[smem:$0x3F83] =	sst lr;
	_ =	strace $0xD0000000  }
0x3: {  	_ = 	snop  }
0x4: {  	_ = 	snop  }
0x5: {  	_ = 	snop  }
0x6: {  	_ = 	snop  }
0x7: {  	_ = 	snop  }
__scs_overlays_trampoline_lowered:
0x8: {  	[smem:$0x3F92] =	sst s0  }
0x9: {  	[smem:$0x3F93] =	sst s1  }
0xa: {  	[smem:$0x3F94] =	sst s2  }
0xb: {  	[smem:$0x3F95] =	sst s3  }
0xc: {  	[smem:$0x3F96] =	sst s4  }
0xd: {  	[smem:$0x3F97] =	sst s5  }
0xe: {  	[smem:$0x3F98] =	sst s6  }
0xf: {  	[smem:$0x3F99] =	sst s7  }
0x10: {  	[smem:$0x3F9A] =	sst s8  }
0x11: {  	[smem:$0x3F9B] =	sst s9;
	s0 =	simm.s32 @!p0 $0x0  }
0x12: {  	s1 =	sld [smem:$0x3F81];
	s0 =	simm.s32 @p0 $0x1  }
0x13: {  	[smem:$0x3F9C] =	sst s0;
	s0 =	simm.s32 @!p1 $0x0  }
0x14: {  	s2 =	sld [smem:$0x3F80];
	s0 =	simm.s32 @p1 $0x1  }
0x15: {  	[smem:$0x3F9D] =	sst s0;
	s0 =	simm.s32 @!p2 $0x0  }
0x16: {  	s3 =	sld [smem:$0x3FDB];
	s0 =	simm.s32 @p2 $0x1  }
0x17: {  	s4 =	simm.s32 $0x1BF5;
	[smem:$0x3F9F] =	sst s0  }
0x18: {  	s0 =	sld [smem:$0x3F82];
	_ =	swait.ge [sflag:s4], $0x0  }
0x19: {  	s7 =	sld [smem:$0x3F83]  }
0x1a: {  	s8 =	sadd.s32 $0xFFFFE003, lr  }
0x1b: {  	s9 =	sadd.s32 $0xFFFFFEF7, lr;
	s5 =	simm.s32 $0xFFFFFFFF;
	p2 =	slt.u32 s8, $0xFFFFF086  }
0x1c: {  	p1 =	slt.u32 s9, $0xF7A;
	s5 =	simm.s32 @!p2 $0x0  }
0x1d: {  	s5 =	simm.s32 @p1 $0x1;
	p0 =	seq.s32 s7, s2  }
0x1e: {  	s7 =	smul.u32 @!p0 $0xF7A, s2;
	p2 =	seq.s32 @!p0 s5, $0x0  }
0x1f: {  	s9 =	smul.u32 $0xF7A, s1;
	s8 =	simm.s32 @!p0 $0x1BF5;
	p2 =	por !p2, p0  }
0x20: {  	[sflag:s8] =	ssyncset.s32 @!p0 $0xFFFFF086;
	s6 =	sadd.s32 @!p0 s3, s7;
	s7 =	simm.s32 @!p0 $0x108  }
0x21: {  	s3 =	sadd.s32 s3, s9;
	s6 =	sadd.s32 @!p0 $0x88, s6;
	s7 =	simm.s32 @p2 $0x1082  }
0x22: {  	[simem:s7], [sflag:s8] =	dma.local @!p0 [hbm:s6], $0xF7A  }
0x23: {  	s9 =	sor.u32 $0xD0000000, s2;
	s6 =	simm.s32 $0x108;
	_ =	swait.ge @!p0 [sflag:s8], $0x0  }
0x24: {  	s3 =	sadd.s32 $0x88, s3;
	s6 =	simm.s32 @!p1 $0x1082;
	[sflag:s4] =	ssyncset.s32 $0xFFFFF086  }
0x25: {  	[simem:s6], [sflag:s4] =	dma.local [hbm:s3], $0xF7A  }
0x26: {  	[smem:$0x3F83] =	sst s1;
	(tag) =	ssettag s2;
	_ =	strace s9  }
0x27: {  	s1 =	sld [smem:$0x3F93]  }
0x28: {  	s2 =	sld [smem:$0x3F94]  }
0x29: {  	s4 =	sld [smem:$0x3F96]  }
0x2a: {  	p0 =	seq.s32 s5, $0x0;
	s5 =	sld [smem:$0x3F97]  }
0x2b: {  	s6 =	sld [smem:$0x3F98]  }
0x2c: {  	s7 =	sld [smem:$0x3F99]  }
0x2d: {  	s3 =	simm.s32 $0x108;
	s8 =	sld [smem:$0x3F9A]  }
0x2e: {  	s3 =	simm.s32 @!p0 $0x1082;
	s9 =	sld [smem:$0x3F9B]  }
0x2f: {  	lr =	sadd.s32 s0, s3;
	s0 =	sld [smem:$0x3F92]  }
0x30: {  	s3 =	sld [smem:$0x3F95]  }
0x31: {  	[smem:$0x3F9E] =	sst s10  }
0x32: {  	s10 =	sld [smem:$0x3F9C];
	_ =	sdelay $0x3  }
0x33: {  	p0 =	seq.s32 s10, $0x1;
	s10 =	sld [smem:$0x3F9E];
	_ =	sdelay $0x3  }
0x34: {  	[smem:$0x3F9E] =	sst s10  }
0x35: {  	s10 =	sld [smem:$0x3F9D];
	_ =	sdelay $0x3  }
0x36: {  	p1 =	seq.s32 s10, $0x1;
	s10 =	sld [smem:$0x3F9E];
	_ =	sdelay $0x3  }
0x37: {  	[smem:$0x3F9E] =	sst s10  }
0x38: {  	s10 =	sld [smem:$0x3F9F]  }
0x39: {  	_ = 	snop;
	(pc) =	sbr.ind lr, $3  }
0x3a: {  	_ = 	snop  }
0x3b: {  	_ = 	snop  }
0x3c: {  	p2 =	seq.s32 s10, $0x1;
	s10 =	sld [smem:$0x3F9E]  }
0x3d: {  	_ =	shalt  }
0x3e: {  	_ =	shalt  }
0x3f: {  	_ =	shalt  }
0x40: {  	_ =	shalt  }
0x41: {  	_ =	shalt  }
0x42: {  	_ =	shalt  }
0x43: {  	_ =	shalt  }
0x44: {  	_ =	shalt  }
0x45: {  	_ =	shalt  }
0x46: {  	_ =	shalt  }
0x47: {  	_ =	shalt  }
0x48: {  	_ =	shalt  }
0x49: {  	_ =	shalt  }
0x4a: {  	_ =	shalt  }
0x4b: {  	_ =	shalt  }
0x4c: {  	_ =	shalt  }
0x4d: {  	_ =	shalt  }
0x4e: {  	_ =	shalt  }
0x4f: {  	_ =	shalt  }
0x50: {  	_ =	shalt  }
0x51: {  	_ =	shalt  }
0x52: {  	_ =	shalt  }
0x53: {  	_ =	shalt  }
0x54: {  	_ =	shalt  }
0x55: {  	_ =	shalt  }
0x56: {  	_ =	shalt  }
0x57: {  	_ =	shalt  }
0x58: {  	_ =	shalt  }
0x59: {  	_ =	shalt  }
0x5a: {  	_ =	shalt  }
0x5b: {  	_ =	shalt  }
0x5c: {  	_ =	shalt  }
0x5d: {  	_ =	shalt  }
0x5e: {  	_ =	shalt  }
0x5f: {  	_ =	shalt  }
0x60: {  	_ =	shalt  }
0x61: {  	_ =	shalt  }
0x62: {  	_ =	shalt  }
0x63: {  	_ =	shalt  }
0x64: {  	_ =	shalt  }
0x65: {  	_ =	shalt  }
0x66: {  	_ =	shalt  }
0x67: {  	_ =	shalt  }
0x68: {  	_ =	shalt  }
0x69: {  	_ =	shalt  }
0x6a: {  	_ =	shalt  }
0x6b: {  	_ =	shalt  }
0x6c: {  	_ =	shalt  }
0x6d: {  	_ =	shalt  }
0x6e: {  	_ =	shalt  }
0x6f: {  	_ =	shalt  }
0x70: {  	_ =	shalt  }
0x71: {  	_ =	shalt  }
0x72: {  	_ =	shalt  }
0x73: {  	_ =	shalt  }
0x74: {  	_ =	shalt  }
0x75: {  	_ =	shalt  }
0x76: {  	_ =	shalt  }
0x77: {  	_ =	shalt  }
0x78: {  	_ =	shalt  }
0x79: {  	_ =	shalt  }
0x7a: {  	_ =	shalt  }
0x7b: {  	_ =	shalt  }
0x7c: {  	_ =	shalt  }
0x7d: {  	_ =	shalt  }
0x7e: {  	_ =	shalt  }
0x7f: {  	_ =	shalt  }
0x80: {  	_ =	shalt  }
0x81: {  	_ =	shalt  }
0x82: {  	_ =	shalt  }
0x83: {  	_ =	shalt  }
0x84: {  	_ =	shalt  }
0x85: {  	_ =	shalt  }
0x86: {  	_ =	shalt  }
0x87: {  	_ =	shalt  }
.Lfunc_end0:
.L_simem_size_0:
called_computation.1_lowered:
.L_overlay_start_0:
0x88: {  	s2 =	sld [smem:$0x3FD9]  }
0x89: {  	s3 =	sld [smem:$0x3FFE];
	_ =	sdelay $0x1  }
0x8a: {  	s1 =	srdreg.scid  }
0x8b: {  	s0 =	sand.u32 $0x1, s1  }
0x8c: {  	s14 =	sshll.u32 s0, $0xA;
	s2 =	sadd.s32 s3, s2  }
0x8d: {  	s2 =	sadd.s32 s2, s14  }
0x8e: {  	[smem:$0x3FAA] =	sst s2  }
0x8f: {  	_ = 	snop  }
0x90: {  	s2 =	sld [smem:$0x3FD0];
	_ =	sdelay $0x2  }
0x91: {  	s15 =	simm.s32 $0xA;
	s4 =	simm.s32 $0x10  }
0x92: {  	[smem:s4], [sflag:s15] =	dma.local [hbm:s2], $0x1  }
0x93: {  	_ =	swait.eq [sflag:s15], $0x1  }
0x94: {  	[sflag:s15] =	ssyncset.done $0x0  }
0x95: {  	[sflag:s15] =	ssyncadd.s32 $0xFFFFFFFF  }
0x96: {  	s16 =	sld [smem:$0x10];
	(tm) =	ssettm $0x1  }
0x97: {  	s17 =	sld [smem:$0x3FFB];
	_ =	sdelay $0x3  }
0x98: {  	_ =	strace s17  }
0x99: {  	s3 =	sld [smem:$0x3FFC];
	_ =	sdelay $0x3  }
0x9a: {  	_ =	strace s3  }
0x9b: {  	s3 =	sld [smem:$0x3FFD];
	_ =	sdelay $0x3  }
0x9c: {  	_ =	strace s3  }
0x9d: {  	_ =	strace $0x8FFFFFFF  }
0x9e: {  	s18 =	sld [smem:$0x3FDB];
	_ =	sdelay $0x1  }
0x9f: {  	s19 =	simm.s32 $_scs_section_size  }
0xa0: {  	s5 =	simm.s32 $_size__tile_overlayer_lowered;
	s6 =	simm.s32 $_tile_overlayer_lowered  }
0xa1: {  	s22 =	simm.s32 $0x1BFF;
	s21 =	sshll.u32 s6, $0x1;
	s3 =	sadd.s32 s19, s18  }
0xa2: {  	s7 =	simm.s32 $0x0;
	s20 =	sshll.u32 s5, $0x1;
	s5 =	sadd.s32 s21, s3  }
0xa3: {  	[timem:s7], [sflag:s22] =	dma.local [hbm:s5], s20  }
0xa4: {  	_ =	swait.ge [sflag:s22], s20  }
0xa5: {  	s4 =	ssub.s32 $0x0, s20;
	[sflag:s22] =	ssyncset.done $0x0  }
0xa6: {  	[sflag:s22] =	ssyncadd.s32 s4;
	_ =	sdelay $0x1  }
0xa7: {  	s23 =	simm.s32 $0x1B8B  }
0xa8: {  	_ =	swait.ge [sflag:s23], $0x1  }
0xa9: {  	[sflag:s23] =	ssyncset.done $0x0  }
0xaa: {  	s25 =	simm.s32 $0x1B8E;
	s24 =	sld [smem:$0x3FFE];
	[sflag:s23] =	ssyncadd.s32 $0xFFFFFFFF  }
0xab: {  	s26 =	simm.s32 $execute0_lowered;
	[smem:$0x3FD2] =	sst s25  }
0xac: {  	s5 =	sshll.u32 s26, $0x1;
	_ =	strace $0x80000049;
	[dreg:$0x1] =	wrdreg $0xFFFFFFFF  }
0xad: {  	s28 =	simm.s32 $_size_execute0_lowered;
	s3 =	sadd.s32 s3, s5;
	[dreg:$0x0] =	wrdreg $0x0  }
0xae: {  	s5 =	sshll.u32 s28, $0x1;
	[dreg:$0x2] =	wrdreg s3  }
0xaf: {  	[dreg:$0x3] =	wrdreg s5  }
0xb0: {  	[dreg:$0x4] =	wrdreg $0xC0  }
0xb1: {  	_ =	task [dreg:s7], $0x5FFFF  }
0xb2: {  	[dreg:$0x1] =	wrdreg $0xFFFFFFFF  }
0xb3: {  	[dreg:$0x0] =	wrdreg $0x60  }
0xb4: {  	[dreg:$0x2] =	wrdreg s24  }
0xb5: {  	[dreg:$0x3] =	wrdreg s16  }
0xb6: {  	[dreg:$0x4] =	wrdreg $0xA8000  }
0xb7: {  	[dreg:$0x5] =	wrdreg $0x9  }
0xb8: {  	_ =	task.clear_ibuf [dreg:s7], $0x6FFFF;
	_ =	strace $0x90000049  }
0xb9: {  	s29 =	simm.s32 $0x9;
	_ =	strace $0x8000004B  }
0xba: {  	_ =	swait.ge [sflag:s29], $0x1  }
0xbb: {  	[sflag:s29] =	ssyncadd.s32 $0xFFFFFFFF  }
0xbc: {  	_ =	strace $0x9000004B  }
0xbd: {  	_ =	sfence  }
0xbe: {  	s30 =	sld [smem:$0x0];
	_ =	sdelay $0x2  }
0xbf: {  	s31 =	sshll.u32 s1, $0xD;
	s1 =	sshrl.u32 s1, $0x2  }
0xc0: {  	s3 =	sand.u32 $0x4000, s31;
	s1 =	sadd.s32 s1, s30  }
0xc1: {  	s0 =	sor.u32 s3, s0;
	s1 =	sshll.u32 s1, $0x11  }
0xc2: {  	s0 =	sor.u32 s1, s0  }
0xc3: {  	s0 =	sadd.s32 $0x8F2B, s0  }
0xc4: {  	[sflag:s0] =	ssyncadd.remote.s32 $0x1  }
0xc5: {  	_ =	sfence.sel $0xFFFF  }
0xc6: {  	[dreg:$0x0] =	wrdreg $0xFFFFFFFF;
	(pc) =	sbr.abs _section_cstart, $3  }
0xc7: {  	[dreg:$0x1] =	wrdreg $0xFFFFFFFF  }
0xc8: {  	_ =	task.clear_ibuf [dreg:s7], $0x2FFFF;
	_ =	strace $0x9FFFFFFF  }
0xc9: {  	(tm) =	ssettm $0x7FFFFFFF  }
tec
execute0_lowered:
.L_overlay_start_1:
0x0: {  	(tag) =	ssettag $0x1  }
0x1: {  	s5 =	rddreg [dreg:$0x0]  }
0x2: {  	s10 =	rddreg [dreg:$0x1]  }
0x3: {  	s1 =	rddreg [dreg:$0x2]  }
0x4: {  	s2 =	srdreg.scid;
	s3 =	simm.s32 $0x0;
	s22 =	simm.s32 $0x80  }
0x5: {  	s23 =	simm.s32 $0x6800;
	s28 =	simm.s32 $0x2780;
	s29 =	simm.s32 $0x0  }
0x6: {  	s11 =	sand.u32 $0x1, s2;
	[smem:$0x7FF] =	sst s3;
	s2 =	stileid.u32  }
0x7: {  	s4 =	sadd.s32 $0x4E00, s5;
	s12 =	sadd.s32 $0xAB200, s5;
	s14 =	smul.u32 $0x4E000, s2  }
0x8: {  	s13 =	sadd.s32 $0xB5200, s5;
	s15 =	sadd.s32 $0x53000, s5;
	s17 =	smul.u32 $0x2700, s2  }
0x9: {  	s20 =	sadd.s32 $0x138000, s1;
	s6 =	sshll.u32 s11, $0x4;
	s19 =	smul.u32 $0x138800, s11  }
0xa: {  	_ =	strace $0x8000004A;
	s24 =	ssub.s32 $0x2, s11;
	s21 =	smul.u32 $0x27100, s11  }
0xb: {  	p0 =	sne.s32 s2, $0xF;
	s8 =	sor.u32 s2, s6;
	s9 =	sshrl.u32 s24, $0x1  }
0xc: {  	s7 =	smul.u32 $0x500, s8;
	s16 =	ssub.s32 s24, s9;
	s25 =	sshrl.u32 s14, $0x2  }
0xd: {  	s26 =	smul.u32 $0x2800, s8;
	s8 =	sadd.s32 s10, s17;
	s10 =	sadd.s32 $0x27000, s10  }
0xe: {  	s19 =	sshrl.u32 s19, $0x3;
	s30 =	sadd.s32 s17, s21;
	s21 =	simm.s32 $0x2800  }
0xf: {  	s24 =	simm.s32 $0x2;
	s18 =	sadd.s32 s25, s1;
	s31 =	sadd.s32 s15, s19  }
0x10: {  	s19 =	simm.s32 $0x1;
	s25 =	simm.s32 $0x3;
	s5 =	sadd.s32 s13, s7  }
0x11: {  	s6 =	sadd.s32 s12, s7;
	s7 =	sshll.u32 s2, $0x6;
	s14 =	sshrl.u32 s26, $0x3  }
0x12: {  	s17 =	sshrl.u32 s18, $0x3;
	s18 =	sshrl.u32 @!p0 s20, $0x3;
	s20 =	simm.s32 $0x7D  }
0x13: {  	s26 =	simm.s32 $0x2700;
	s9 =	sor.u32 $0x1C02, s7;
	s14 =	sadd.s32 $0x280, s14  }
0x14: {  	s11 =	sadd.s32 s13, s14;
	s12 =	sadd.s32 s12, s14;
	s13 =	sadd.s32 s15, s30  }
0x15: {  	s14 =	sadd.s32 $0x27000, s31;
	s15 =	smax.u32 s16, $0x1;
	s16 =	simm.s32 $0x1400  }
.LBB2_1:
0x16: {  	[tilespmem:s3], [sflag:$0x1] =	stream.linear.gather [hbm4b:s5+s3], $0x1400, $0x38;
	[tilespmem:$0x1E080] =	vst v63  }
0x17: {  	_ = 	snop  }
0x18: {  	[tilespmem:s16], [sflag:$0x1] =	stream.linear.gather [hbm4b:s6+s3], $0x1400, $0x38;
	[tilespmem:$0x1E080] =	vst v63  }
0x19: {  	[spmem:s17], [sflag:s9] =	dma.local [hbm:s8], $0x2700  }
0x1a: {  	[spmem:s18], [sflag:s9] =	dma.local @!p0 [hbm:s10], $0x100  }
0x1b: {  	_ =	swait.ge [sflag:s19], $0x1400  }
0x1c: {  	[sflag:s19] =	ssyncset.done $0x0  }
0x1d: {  	[sflag:s19] =	ssyncadd.s32 $0xFFFFEC00  }
0x1e: {  	_ =	swait.ge [sflag:s19], $0x1400  }
0x1f: {  	[sflag:s19] =	ssyncset.done $0x0  }
0x20: {  	[sflag:s19] =	ssyncadd.s32 $0xFFFFEC00  }
0x21: {  	[tilespmem:s21], [sflag:$0x1] =	stream.indirect.gather [hbm4b:s4+s20], $0x80, s3, s20, $0xb8;
	[tilespmem:$0x1E080] =	vst v63  }
0x22: {  	_ = 	snop  }
0x23: {  	[tilespmem:s23], [sflag:$0x1] =	stream.indirect.gather [hbm4b:s4+s20], $0x80, s22, s20, $0xb8;
	[tilespmem:$0x1E080] =	vst v63  }
0x24: {  	_ =	swait.ge [sflag:s24], $0x2700  }
0x25: {  	[sflag:s24] =	ssyncset.done $0x0  }
0x26: {  	s30 =	simm.s32 @!p0 $0x2;
	[sflag:s24] =	ssyncadd.s32 $0xFFFFD900  }
0x27: {  	_ =	swait.ge @!p0 [sflag:s30], $0x100  }
0x28: {  	[sflag:s30] =	ssyncset.done @!p0 $0x0  }
0x29: {  	[sflag:s30] =	ssyncadd.s32 @!p0 $0xFFFFFF00  }
0x2a: {  	[bflag:$0x0] =	sbarrier.arrive $0xFFFF  }
0x2b: {  	_ =	swait.ge [sflag:s19], $0x3E80  }
0x2c: {  	[sflag:s19] =	ssyncset.done $0x0  }
0x2d: {  	s30 =	simm.s32 $0x1400;
	[sflag:s19] =	ssyncadd.s32 $0xFFFFC180  }
0x2e: {  	[spmem:s1] =	stream.indirect.scatter.add.f32 [tilespmem:s21], [sflag:$0x3], $0x80, s30, s20, $0xb8;
	[tilespmem:$0x1E080] =	vst v63  }
0x2f: {  	_ =	swait.ge [sflag:s25], $0x3E80  }
0x30: {  	[sflag:s25] =	ssyncset.done $0x0  }
0x31: {  	s30 =	simm.s32 $0x100;
	[sflag:s25] =	ssyncadd.s32 $0xFFFFC180  }
0x32: {  	[tilespmem:s21], [sflag:$0x1] =	stream.indirect.gather [hbm4b:s4+s20], $0x80, s30, s20, $0xb8;
	[tilespmem:$0x1E080] =	vst v63  }
0x33: {  	_ =	swait.ge [sflag:s19], $0x3E80  }
0x34: {  	[sflag:s19] =	ssyncset.done $0x0  }
0x35: {  	s30 =	simm.s32 $0x1480;
	[sflag:s19] =	ssyncadd.s32 $0xFFFFC180  }
0x36: {  	[spmem:s1] =	stream.indirect.scatter.add.f32 [tilespmem:s23], [sflag:$0x3], $0x80, s30, s20, $0xb8;
	[tilespmem:$0x1E080] =	vst v63  }
0x37: {  	_ =	swait.ge [sflag:s25], $0x3E80  }
0x38: {  	[sflag:s25] =	ssyncset.done $0x0  }
0x39: {  	s31 =	simm.s32 $0x180;
	s30 =	simm.s32 $0x400;
	[sflag:s25] =	ssyncadd.s32 $0xFFFFC180  }
.LBB2_2:
0x3a: {  	[tilespmem:s23], [sflag:$0x1] =	stream.indirect.gather [hbm4b:s4+s20], $0x80, s31, s20, $0xb8;
	[tilespmem:$0x1E080] =	vst v63  }
0x3b: {  	s31 =	smov.u32 s30  }
0x3c: {  	p1 =	sne.s32 s30, $0x4800;
	s30 =	sadd.s32 $0x400, s30;
	_ =	swait.ge [sflag:s19], $0x3E80  }
0x3d: {  	s31 =	sshra.s32 s31, $0x2;
	[sflag:s19] =	ssyncset.done $0x0  }
0x3e: {  	s0 =	sadd.s32 $0x1400, s31;
	[sflag:s19] =	ssyncadd.s32 $0xFFFFC180  }
0x3f: {  	[spmem:s1] =	stream.indirect.scatter.add.f32 [tilespmem:s21], [sflag:$0x3], $0x80, s0, s20, $0xb8;
	[tilespmem:$0x1E080] =	vst v63  }
0x40: {  	_ =	swait.ge [sflag:s25], $0x3E80  }
0x41: {  	[sflag:s25] =	ssyncset.done $0x0  }
0x42: {  	s0 =	sadd.s32 $0x100, s31;
	[sflag:s25] =	ssyncadd.s32 $0xFFFFC180  }
0x43: {  	[tilespmem:s21], [sflag:$0x1] =	stream.indirect.gather [hbm4b:s4+s20], $0x80, s0, s20, $0xb8;
	[tilespmem:$0x1E080] =	vst v63  }
0x44: {  	_ =	swait.ge [sflag:s19], $0x3E80  }
0x45: {  	[sflag:s19] =	ssyncset.done $0x0  }
.Ltmp0:
0x46: {  	s0 =	sadd.s32 $0x1480, s31;
	[sflag:s19] =	ssyncadd.s32 $0xFFFFC180;
	(pc) =	sbr.rel @p1 .LBB2_2-.Ltmp0, $4  }
0x47: {  	[spmem:s1] =	stream.indirect.scatter.add.f32 [tilespmem:s23], [sflag:$0x3], $0x80, s0, s20, $0xb8;
	[tilespmem:$0x1E080] =	vst v63  }
0x48: {  	_ =	swait.ge [sflag:s25], $0x3E80  }
0x49: {  	[sflag:s25] =	ssyncset.done $0x0  }
0x4a: {  	s31 =	sadd.s32 $0x180, s31;
	[sflag:s25] =	ssyncadd.s32 $0xFFFFC180  }
0x4b: {  	[tilespmem:s23], [sflag:$0x1] =	stream.indirect.gather [hbm4b:s4+s20], $0x80, s31, s20, $0xb8;
	[tilespmem:$0x1E080] =	vst v63  }
0x4c: {  	_ =	swait.ge [sflag:s19], $0x3E80  }
0x4d: {  	[sflag:s19] =	ssyncset.done $0x0  }
0x4e: {  	[sflag:s19] =	ssyncadd.s32 $0xFFFFC180  }
0x4f: {  	[spmem:s1] =	stream.indirect.scatter.add.f32 [tilespmem:s21], [sflag:$0x3], $0x80, s26, s20, $0xb8;
	[tilespmem:$0x1E080] =	vst v63  }
0x50: {  	_ =	swait.ge [sflag:s25], $0x3E80  }
0x51: {  	[sflag:s25] =	ssyncset.done $0x0  }
0x52: {  	[sflag:s25] =	ssyncadd.s32 $0xFFFFC180  }
0x53: {  	_ =	swait.ge [sflag:s19], $0x3E80  }
0x54: {  	[sflag:s19] =	ssyncset.done $0x0  }
0x55: {  	[sflag:s19] =	ssyncadd.s32 $0xFFFFC180  }
0x56: {  	[spmem:s1] =	stream.indirect.scatter.add.f32 [tilespmem:s23], [sflag:$0x3], $0x80, s28, s20, $0xb8;
	[tilespmem:$0x1E080] =	vst v63  }
0x57: {  	_ =	swait.ge [sflag:s25], $0x3E80  }
0x58: {  	[sflag:s25] =	ssyncset.done $0x0  }
0x59: {  	s0 =	simm.s32 $0x0;
	[sflag:s25] =	ssyncadd.s32 $0xFFFFC180  }
0x5a: {  	[tilespmem:s0], [sflag:$0x3] =	stream.linear.gather [hbm4b:s11+s0], $0x1400, $0x38;
	[tilespmem:$0x1E080] =	vst v63  }
0x5b: {  	_ =	swait.ge [sflag:s25], $0x1400  }
0x5c: {  	[sflag:s25] =	ssyncset.done $0x0  }
0x5d: {  	[sflag:s25] =	ssyncadd.s32 $0xFFFFEC00  }
0x5e: {  	[tilespmem:s16], [sflag:$0x3] =	stream.linear.gather [hbm4b:s12+s0], $0x1400, $0x38;
	[tilespmem:$0x1E080] =	vst v63  }
0x5f: {  	_ =	swait.ge [sflag:s25], $0x1400  }
0x60: {  	[sflag:s25] =	ssyncset.done $0x0  }
0x61: {  	[sflag:s25] =	ssyncadd.s32 $0xFFFFEC00  }
0x62: {  	[tilespmem:s21], [sflag:$0x1] =	stream.indirect.gather [hbm4b:s4+s20], $0x80, s0, s20, $0xb8;
	[tilespmem:$0x1E080] =	vst v63  }
0x63: {  	_ = 	snop  }
0x64: {  	[tilespmem:s23], [sflag:$0x1] =	stream.indirect.gather [hbm4b:s4+s20], $0x80, s22, s20, $0xb8;
	[tilespmem:$0x1E080] =	vst v63  }
0x65: {  	_ =	swait.ge [sflag:s19], $0x3E80  }
0x66: {  	[sflag:s19] =	ssyncset.done $0x0  }
0x67: {  	s0 =	simm.s32 $0x1400;
	[sflag:s19] =	ssyncadd.s32 $0xFFFFC180  }
0x68: {  	[spmem:s1] =	stream.indirect.scatter.add.f32 [tilespmem:s21], [sflag:$0x3], $0x80, s0, s20, $0xb8;
	[tilespmem:$0x1E080] =	vst v63  }
0x69: {  	_ =	swait.ge [sflag:s25], $0x3E80  }
0x6a: {  	[sflag:s25] =	ssyncset.done $0x0  }
0x6b: {  	s0 =	simm.s32 $0x100;
	[sflag:s25] =	ssyncadd.s32 $0xFFFFC180  }
0x6c: {  	[tilespmem:s21], [sflag:$0x1] =	stream.indirect.gather [hbm4b:s4+s20], $0x80, s0, s20, $0xb8;
	[tilespmem:$0x1E080] =	vst v63  }
0x6d: {  	_ =	swait.ge [sflag:s19], $0x3E80  }
0x6e: {  	[sflag:s19] =	ssyncset.done $0x0  }
0x6f: {  	s0 =	simm.s32 $0x1480;
	[sflag:s19] =	ssyncadd.s32 $0xFFFFC180  }
0x70: {  	[spmem:s1] =	stream.indirect.scatter.add.f32 [tilespmem:s23], [sflag:$0x3], $0x80, s0, s20, $0xb8;
	[tilespmem:$0x1E080] =	vst v63  }
0x71: {  	_ =	swait.ge [sflag:s25], $0x3E80  }
0x72: {  	[sflag:s25] =	ssyncset.done $0x0  }
0x73: {  	s30 =	simm.s32 $0x400;
	s31 =	simm.s32 $0x180;
	[sflag:s25] =	ssyncadd.s32 $0xFFFFC180  }
.LBB2_4:
0x74: {  	[tilespmem:s23], [sflag:$0x1] =	stream.indirect.gather [hbm4b:s4+s20], $0x80, s31, s20, $0xb8;
	[tilespmem:$0x1E080] =	vst v63  }
0x75: {  	s0 =	smov.u32 s30  }
0x76: {  	p1 =	sne.s32 s30, $0x4800;
	s30 =	sadd.s32 $0x400, s30;
	_ =	swait.ge [sflag:s19], $0x3E80  }
0x77: {  	s0 =	sshra.s32 s0, $0x2;
	[sflag:s19] =	ssyncset.done $0x0  }
0x78: {  	s31 =	sadd.s32 $0x1400, s0;
	[sflag:s19] =	ssyncadd.s32 $0xFFFFC180  }
0x79: {  	[spmem:s1] =	stream.indirect.scatter.add.f32 [tilespmem:s21], [sflag:$0x3], $0x80, s31, s20, $0xb8;
	[tilespmem:$0x1E080] =	vst v63  }
0x7a: {  	_ =	swait.ge [sflag:s25], $0x3E80  }
0x7b: {  	[sflag:s25] =	ssyncset.done $0x0  }
0x7c: {  	s31 =	sadd.s32 $0x100, s0;
	[sflag:s25] =	ssyncadd.s32 $0xFFFFC180  }
0x7d: {  	[tilespmem:s21], [sflag:$0x1] =	stream.indirect.gather [hbm4b:s4+s20], $0x80, s31, s20, $0xb8;
	[tilespmem:$0x1E080] =	vst v63  }
0x7e: {  	_ =	swait.ge [sflag:s19], $0x3E80  }
0x7f: {  	[sflag:s19] =	ssyncset.done $0x0  }
.Ltmp1:
0x80: {  	s31 =	sadd.s32 $0x1480, s0;
	[sflag:s19] =	ssyncadd.s32 $0xFFFFC180;
	(pc) =	sbr.rel @p1 .LBB2_4-.Ltmp1, $4  }
0x81: {  	[spmem:s1] =	stream.indirect.scatter.add.f32 [tilespmem:s23], [sflag:$0x3], $0x80, s31, s20, $0xb8;
	[tilespmem:$0x1E080] =	vst v63  }
0x82: {  	_ =	swait.ge [sflag:s25], $0x3E80  }
0x83: {  	[sflag:s25] =	ssyncset.done $0x0  }
0x84: {  	s31 =	sadd.s32 $0x180, s0;
	[sflag:s25] =	ssyncadd.s32 $0xFFFFC180  }
0x85: {  	[tilespmem:s23], [sflag:$0x1] =	stream.indirect.gather [hbm4b:s4+s20], $0x80, s31, s20, $0xb8;
	[tilespmem:$0x1E080] =	vst v63  }
0x86: {  	_ =	swait.ge [sflag:s19], $0x3E80  }
0x87: {  	[sflag:s19] =	ssyncset.done $0x0  }
0x88: {  	[sflag:s19] =	ssyncadd.s32 $0xFFFFC180  }
0x89: {  	[spmem:s1] =	stream.indirect.scatter.add.f32 [tilespmem:s21], [sflag:$0x3], $0x80, s26, s20, $0xb8;
	[tilespmem:$0x1E080] =	vst v63  }
0x8a: {  	_ =	swait.ge [sflag:s25], $0x3E80  }
0x8b: {  	[sflag:s25] =	ssyncset.done $0x0  }
0x8c: {  	[sflag:s25] =	ssyncadd.s32 $0xFFFFC180  }
0x8d: {  	_ =	swait.ge [sflag:s19], $0x3E80  }
0x8e: {  	[sflag:s19] =	ssyncset.done $0x0  }
0x8f: {  	[sflag:s19] =	ssyncadd.s32 $0xFFFFC180  }
0x90: {  	[spmem:s1] =	stream.indirect.scatter.add.f32 [tilespmem:s23], [sflag:$0x3], $0x80, s28, s20, $0xb8;
	[tilespmem:$0x1E080] =	vst v63  }
0x91: {  	_ =	swait.ge [sflag:s25], $0x3E80  }
0x92: {  	[sflag:s25] =	ssyncset.done $0x0  }
0x93: {  	[sflag:s25] =	ssyncadd.s32 $0xFFFFC180  }
0x94: {  	s0 =	sor.u32 $0x1C03, s7;
	[bflag:$0x0] =	sbarrier.arrive $0xFFFF  }
0x95: {  	[hbm:s13], [sflag:s0] =	dma.local [spmem:s17], $0x2700  }
0x96: {  	_ =	swait.ge [sflag:s25], $0x2700  }
0x97: {  	s29 =	sadd.s32 $0x1, s29;
	[sflag:s25] =	ssyncset.done $0x0  }
0x98: {  	p1 =	sne.s32 s29, s15;
	[sflag:s25] =	ssyncadd.s32 $0xFFFFD900  }
0x99: {  	[hbm:s14], [sflag:s0] =	dma.local @!p0 [spmem:s18], $0x100  }
.Ltmp2:
0x9a: {  	_ = 	snop;
	(pc) =	sbr.rel @p1 .LBB2_1-.Ltmp2, $4  }
0x9b: {  	s0 =	simm.s32 @!p0 $0x3  }
0x9c: {  	_ =	swait.ge @!p0 [sflag:s0], $0x100  }
0x9d: {  	[sflag:s0] =	ssyncset.done @!p0 $0x0  }
0x9e: {  	[sflag:s0] =	ssyncadd.s32 @!p0 $0xFFFFFF00  }
0x9f: {  	_ =	sfence.sel $0x180000  }
0xa0: {  	[bflag:$0x0] =	sbarrier.arrive $0xFFFF  }
0xa1: {  	_ =	strace $0x9000004A  }
0xa2: {  	[bflag:$0x2] =	sbarrier.arrive $0xFFFF  }
0xa3: {  	p0 =	sne.s32 s2, $0x0;
	s0 =	rddreg [dreg:$0x3]  }
0xa4: {  	s0 =	sadd.s32 @!p0 $0x100000, s0  }
0xa5: {  	[sflag:s0] =	ssyncadd.tile.s32 @!p0 $0x1;
	_ =	shalt  }
.Lfunc_end2:
_tile_overlayer_lowered:
.L_overlay_start_2:
0xa6: {  	(tag) =	ssettag $0x2  }
0xa7: {  	s0 =	rddreg [dreg:$0x0];
	s2 =	stileid.u32  }
0xa8: {  	s1 =	rddreg [dreg:$0x1];
	p0 =	sne.s32 s2, $0x0  }
0xa9: {  	s3 =	rddreg [dreg:$0x2];
	[bflag:$0x3] =	sbarrier.arrive $0xFFFF;
	s2 =	simm.s32 @!p0 $0x1C03  }
0xaa: {  	[timem:s3], [sflag:s2] =	dma.local @!p0 [hbm:s0], s1  }
0xab: {  	s0 =	simm.s32 @!p0 $0x3  }
0xac: {  	_ =	swait.ge @!p0 [sflag:s0], s1  }
0xad: {  	s1 =	ssub.s32 @!p0 $0x0, s1;
	[sflag:s0] =	ssyncset.done @!p0 $0x0  }
0xae: {  	[sflag:s0] =	ssyncadd.s32 @!p0 s1  }
0xaf: {  	[bflag:$0x3] =	sbarrier.arrive $0xFFFF  }
0xb0: {  	_ =	shalt  }

// kernel: kernel.7.cloned.1.call-start
scs
__scs_entry_jumppad:
0x0: {  	(pc) =	sbr.rel $0x88, $3  }
0x1: {  	(tag) =	ssettag $0x0;
	lr =	simm.s32 $0x1  }
0x2: {  	[smem:$0x3F83] =	sst lr;
	_ =	strace $0xD0000000  }
0x3: {  	_ = 	snop  }
0x4: {  	_ = 	snop  }
0x5: {  	_ = 	snop  }
0x6: {  	_ = 	snop  }
0x7: {  	_ = 	snop  }
__scs_overlays_trampoline_lowered:
0x8: {  	[smem:$0x3F92] =	sst s0  }
0x9: {  	[smem:$0x3F93] =	sst s1  }
0xa: {  	[smem:$0x3F94] =	sst s2  }
0xb: {  	[smem:$0x3F95] =	sst s3  }
0xc: {  	[smem:$0x3F96] =	sst s4  }
0xd: {  	[smem:$0x3F97] =	sst s5  }
0xe: {  	[smem:$0x3F98] =	sst s6  }
0xf: {  	[smem:$0x3F99] =	sst s7  }
0x10: {  	[smem:$0x3F9A] =	sst s8  }
0x11: {  	[smem:$0x3F9B] =	sst s9;
	s0 =	simm.s32 @!p0 $0x0  }
0x12: {  	s1 =	sld [smem:$0x3F81];
	s0 =	simm.s32 @p0 $0x1  }
0x13: {  	[smem:$0x3F9C] =	sst s0;
	s0 =	simm.s32 @!p1 $0x0  }
0x14: {  	s2 =	sld [smem:$0x3F80];
	s0 =	simm.s32 @p1 $0x1  }
0x15: {  	[smem:$0x3F9D] =	sst s0;
	s0 =	simm.s32 @!p2 $0x0  }
0x16: {  	s3 =	sld [smem:$0x3FDB];
	s0 =	simm.s32 @p2 $0x1  }
0x17: {  	s4 =	simm.s32 $0x1BF5;
	[smem:$0x3F9F] =	sst s0  }
0x18: {  	s0 =	sld [smem:$0x3F82];
	_ =	swait.ge [sflag:s4], $0x0  }
0x19: {  	s7 =	sld [smem:$0x3F83]  }
0x1a: {  	s8 =	sadd.s32 $0xFFFFE003, lr  }
0x1b: {  	s9 =	sadd.s32 $0xFFFFFEF7, lr;
	s5 =	simm.s32 $0xFFFFFFFF;
	p2 =	slt.u32 s8, $0xFFFFF086  }
0x1c: {  	p1 =	slt.u32 s9, $0xF7A;
	s5 =	simm.s32 @!p2 $0x0  }
0x1d: {  	s5 =	simm.s32 @p1 $0x1;
	p0 =	seq.s32 s7, s2  }
0x1e: {  	s7 =	smul.u32 @!p0 $0xF7A, s2;
	p2 =	seq.s32 @!p0 s5, $0x0  }
0x1f: {  	s9 =	smul.u32 $0xF7A, s1;
	s8 =	simm.s32 @!p0 $0x1BF5;
	p2 =	por !p2, p0  }
0x20: {  	[sflag:s8] =	ssyncset.s32 @!p0 $0xFFFFF086;
	s6 =	sadd.s32 @!p0 s3, s7;
	s7 =	simm.s32 @!p0 $0x108  }
0x21: {  	s3 =	sadd.s32 s3, s9;
	s6 =	sadd.s32 @!p0 $0x88, s6;
	s7 =	simm.s32 @p2 $0x1082  }
0x22: {  	[simem:s7], [sflag:s8] =	dma.local @!p0 [hbm:s6], $0xF7A  }
0x23: {  	s9 =	sor.u32 $0xD0000000, s2;
	s6 =	simm.s32 $0x108;
	_ =	swait.ge @!p0 [sflag:s8], $0x0  }
0x24: {  	s3 =	sadd.s32 $0x88, s3;
	s6 =	simm.s32 @!p1 $0x1082;
	[sflag:s4] =	ssyncset.s32 $0xFFFFF086  }
0x25: {  	[simem:s6], [sflag:s4] =	dma.local [hbm:s3], $0xF7A  }
0x26: {  	[smem:$0x3F83] =	sst s1;
	(tag) =	ssettag s2;
	_ =	strace s9  }
0x27: {  	s1 =	sld [smem:$0x3F93]  }
0x28: {  	s2 =	sld [smem:$0x3F94]  }
0x29: {  	s4 =	sld [smem:$0x3F96]  }
0x2a: {  	p0 =	seq.s32 s5, $0x0;
	s5 =	sld [smem:$0x3F97]  }
0x2b: {  	s6 =	sld [smem:$0x3F98]  }
0x2c: {  	s7 =	sld [smem:$0x3F99]  }
0x2d: {  	s3 =	simm.s32 $0x108;
	s8 =	sld [smem:$0x3F9A]  }
0x2e: {  	s3 =	simm.s32 @!p0 $0x1082;
	s9 =	sld [smem:$0x3F9B]  }
0x2f: {  	lr =	sadd.s32 s0, s3;
	s0 =	sld [smem:$0x3F92]  }
0x30: {  	s3 =	sld [smem:$0x3F95]  }
0x31: {  	[smem:$0x3F9E] =	sst s10  }
0x32: {  	s10 =	sld [smem:$0x3F9C];
	_ =	sdelay $0x3  }
0x33: {  	p0 =	seq.s32 s10, $0x1;
	s10 =	sld [smem:$0x3F9E];
	_ =	sdelay $0x3  }
0x34: {  	[smem:$0x3F9E] =	sst s10  }
0x35: {  	s10 =	sld [smem:$0x3F9D];
	_ =	sdelay $0x3  }
0x36: {  	p1 =	seq.s32 s10, $0x1;
	s10 =	sld [smem:$0x3F9E];
	_ =	sdelay $0x3  }
0x37: {  	[smem:$0x3F9E] =	sst s10  }
0x38: {  	s10 =	sld [smem:$0x3F9F]  }
0x39: {  	_ = 	snop;
	(pc) =	sbr.ind lr, $3  }
0x3a: {  	_ = 	snop  }
0x3b: {  	_ = 	snop  }
0x3c: {  	p2 =	seq.s32 s10, $0x1;
	s10 =	sld [smem:$0x3F9E]  }
0x3d: {  	_ =	shalt  }
0x3e: {  	_ =	shalt  }
0x3f: {  	_ =	shalt  }
0x40: {  	_ =	shalt  }
0x41: {  	_ =	shalt  }
0x42: {  	_ =	shalt  }
0x43: {  	_ =	shalt  }
0x44: {  	_ =	shalt  }
0x45: {  	_ =	shalt  }
0x46: {  	_ =	shalt  }
0x47: {  	_ =	shalt  }
0x48: {  	_ =	shalt  }
0x49: {  	_ =	shalt  }
0x4a: {  	_ =	shalt  }
0x4b: {  	_ =	shalt  }
0x4c: {  	_ =	shalt  }
0x4d: {  	_ =	shalt  }
0x4e: {  	_ =	shalt  }
0x4f: {  	_ =	shalt  }
0x50: {  	_ =	shalt  }
0x51: {  	_ =	shalt  }
0x52: {  	_ =	shalt  }
0x53: {  	_ =	shalt  }
0x54: {  	_ =	shalt  }
0x55: {  	_ =	shalt  }
0x56: {  	_ =	shalt  }
0x57: {  	_ =	shalt  }
0x58: {  	_ =	shalt  }
0x59: {  	_ =	shalt  }
0x5a: {  	_ =	shalt  }
0x5b: {  	_ =	shalt  }
0x5c: {  	_ =	shalt  }
0x5d: {  	_ =	shalt  }
0x5e: {  	_ =	shalt  }
0x5f: {  	_ =	shalt  }
0x60: {  	_ =	shalt  }
0x61: {  	_ =	shalt  }
0x62: {  	_ =	shalt  }
0x63: {  	_ =	shalt  }
0x64: {  	_ =	shalt  }
0x65: {  	_ =	shalt  }
0x66: {  	_ =	shalt  }
0x67: {  	_ =	shalt  }
0x68: {  	_ =	shalt  }
0x69: {  	_ =	shalt  }
0x6a: {  	_ =	shalt  }
0x6b: {  	_ =	shalt  }
0x6c: {  	_ =	shalt  }
0x6d: {  	_ =	shalt  }
0x6e: {  	_ =	shalt  }
0x6f: {  	_ =	shalt  }
0x70: {  	_ =	shalt  }
0x71: {  	_ =	shalt  }
0x72: {  	_ =	shalt  }
0x73: {  	_ =	shalt  }
0x74: {  	_ =	shalt  }
0x75: {  	_ =	shalt  }
0x76: {  	_ =	shalt  }
0x77: {  	_ =	shalt  }
0x78: {  	_ =	shalt  }
0x79: {  	_ =	shalt  }
0x7a: {  	_ =	shalt  }
0x7b: {  	_ =	shalt  }
0x7c: {  	_ =	shalt  }
0x7d: {  	_ =	shalt  }
0x7e: {  	_ =	shalt  }
0x7f: {  	_ =	shalt  }
0x80: {  	_ =	shalt  }
0x81: {  	_ =	shalt  }
0x82: {  	_ =	shalt  }
0x83: {  	_ =	shalt  }
0x84: {  	_ =	shalt  }
0x85: {  	_ =	shalt  }
0x86: {  	_ =	shalt  }
0x87: {  	_ =	shalt  }
.Lfunc_end0:
.L_simem_size_0:
called_computation_lowered:
.L_overlay_start_0:
0x88: {  	s2 =	sld [smem:$0x3FD9]  }
0x89: {  	s3 =	sld [smem:$0x3FFE];
	_ =	sdelay $0x1  }
0x8a: {  	s1 =	srdreg.scid  }
0x8b: {  	s0 =	sand.u32 $0x1, s1  }
0x8c: {  	s14 =	sshll.u32 s0, $0xA;
	s2 =	sadd.s32 s3, s2  }
0x8d: {  	s2 =	sadd.s32 s2, s14  }
0x8e: {  	[smem:$0x3FAA] =	sst s2  }
0x8f: {  	_ = 	snop  }
0x90: {  	s2 =	sld [smem:$0x3FD0];
	_ =	sdelay $0x2  }
0x91: {  	s15 =	simm.s32 $0xA;
	s4 =	simm.s32 $0x10  }
0x92: {  	[smem:s4], [sflag:s15] =	dma.local [hbm:s2], $0x1  }
0x93: {  	_ =	swait.eq [sflag:s15], $0x1  }
0x94: {  	[sflag:s15] =	ssyncset.done $0x0  }
0x95: {  	s16 =	sld [smem:$0x10];
	[sflag:s15] =	ssyncadd.s32 $0xFFFFFFFF  }
0x96: {  	s17 =	sld [smem:$0x11];
	(tm) =	ssettm $0x1  }
0x97: {  	s18 =	sld [smem:$0x3FFB];
	_ =	sdelay $0x3  }
0x98: {  	_ =	strace s18  }
0x99: {  	s4 =	sld [smem:$0x3FFC];
	_ =	sdelay $0x3  }
0x9a: {  	_ =	strace s4  }
0x9b: {  	s4 =	sld [smem:$0x3FFD];
	_ =	sdelay $0x3  }
0x9c: {  	_ =	strace s4  }
0x9d: {  	_ =	strace $0x8FFFFFFF  }
0x9e: {  	s19 =	sld [smem:$0x3FDB];
	_ =	sdelay $0x1  }
0x9f: {  	s5 =	simm.s32 $_scs_section_size  }
0xa0: {  	s6 =	simm.s32 $_size__tile_overlayer_lowered;
	s7 =	simm.s32 $_tile_overlayer_lowered  }
0xa1: {  	s22 =	simm.s32 $0x1BFF;
	s21 =	sshll.u32 s7, $0x1;
	s4 =	sadd.s32 s5, s19  }
0xa2: {  	s8 =	simm.s32 $0x0;
	s20 =	sshll.u32 s6, $0x1;
	s6 =	sadd.s32 s21, s4  }
0xa3: {  	[timem:s8], [sflag:s22] =	dma.local [hbm:s6], s20  }
0xa4: {  	_ =	swait.ge [sflag:s22], s20  }
0xa5: {  	s5 =	ssub.s32 $0x0, s20;
	[sflag:s22] =	ssyncset.done $0x0  }
0xa6: {  	[sflag:s22] =	ssyncadd.s32 s5;
	_ =	sdelay $0x1  }
0xa7: {  	s23 =	simm.s32 $0x1B8B  }
0xa8: {  	_ =	swait.ge [sflag:s23], $0x1  }
0xa9: {  	[sflag:s23] =	ssyncset.done $0x0  }
0xaa: {  	s25 =	simm.s32 $0x1B8E;
	s24 =	sld [smem:$0x3FFE];
	[sflag:s23] =	ssyncadd.s32 $0xFFFFFFFF  }
0xab: {  	s26 =	simm.s32 $execute0_lowered;
	[smem:$0x3FD2] =	sst s25  }
0xac: {  	s6 =	sshll.u32 s26, $0x1;
	_ =	strace $0x80000046;
	[dreg:$0x1] =	wrdreg $0xFFFFFFFF  }
0xad: {  	s28 =	simm.s32 $_size_execute0_lowered;
	s4 =	sadd.s32 s4, s6;
	[dreg:$0x0] =	wrdreg $0x0  }
0xae: {  	s6 =	sshll.u32 s28, $0x1;
	[dreg:$0x2] =	wrdreg s4  }
0xaf: {  	[dreg:$0x3] =	wrdreg s6  }
0xb0: {  	[dreg:$0x4] =	wrdreg $0xC0  }
0xb1: {  	_ =	task [dreg:s8], $0x5FFFF  }
0xb2: {  	[dreg:$0x1] =	wrdreg $0xFFFFFFFF  }
0xb3: {  	[dreg:$0x0] =	wrdreg $0x60  }
0xb4: {  	[dreg:$0x2] =	wrdreg s24  }
0xb5: {  	[dreg:$0x3] =	wrdreg s17  }
0xb6: {  	[dreg:$0x4] =	wrdreg s16  }
0xb7: {  	[dreg:$0x5] =	wrdreg $0xA8000  }
0xb8: {  	[dreg:$0x6] =	wrdreg $0x9  }
0xb9: {  	_ =	task.clear_ibuf [dreg:s8], $0x7FFFF;
	_ =	strace $0x90000046  }
0xba: {  	s29 =	simm.s32 $0x9;
	_ =	strace $0x80000048  }
0xbb: {  	_ =	swait.ge [sflag:s29], $0x1  }
0xbc: {  	[sflag:s29] =	ssyncadd.s32 $0xFFFFFFFF  }
0xbd: {  	_ =	strace $0x90000048  }
0xbe: {  	_ =	sfence  }
0xbf: {  	s30 =	sld [smem:$0x0];
	_ =	sdelay $0x2  }
0xc0: {  	s31 =	sshll.u32 s1, $0xD;
	s1 =	sshrl.u32 s1, $0x2  }
0xc1: {  	s3 =	sand.u32 $0x4000, s31;
	s1 =	sadd.s32 s1, s30  }
0xc2: {  	s0 =	sor.u32 s3, s0;
	s1 =	sshll.u32 s1, $0x11  }
0xc3: {  	s0 =	sor.u32 s1, s0  }
0xc4: {  	s0 =	sadd.s32 $0x8F2B, s0  }
0xc5: {  	[sflag:s0] =	ssyncadd.remote.s32 $0x1  }
0xc6: {  	_ =	sfence.sel $0xFFFF  }
0xc7: {  	[dreg:$0x0] =	wrdreg $0xFFFFFFFF;
	(pc) =	sbr.abs _section_cstart, $3  }
0xc8: {  	[dreg:$0x1] =	wrdreg $0xFFFFFFFF  }
0xc9: {  	_ =	task.clear_ibuf [dreg:s8], $0x2FFFF;
	_ =	strace $0x9FFFFFFF  }
0xca: {  	(tm) =	ssettm $0x7FFFFFFF  }
0xcb: {  	_ =	shalt  }
tec
execute0_lowered:
.L_overlay_start_1:
0x0: {  	(tag) =	ssettag $0x1  }
0x1: {  	s5 =	rddreg [dreg:$0x0]  }
0x2: {  	s12 =	rddreg [dreg:$0x1]  }
0x3: {  	s10 =	rddreg [dreg:$0x2]  }
0x4: {  	s1 =	rddreg [dreg:$0x3];
	s2 =	srdreg.scid;
	s3 =	simm.s32 $0x0  }
0x5: {  	s22 =	simm.s32 $0x80;
	s23 =	simm.s32 $0x6800;
	s24 =	simm.s32 $0x2  }
0x6: {  	s28 =	simm.s32 $0x2780;
	s11 =	sand.u32 $0x1, s2;
	s2 =	stileid.u32  }
0x7: {  	s29 =	simm.s32 $0x0;
	[smem:$0x7FF] =	sst s3;
	s14 =	smul.u32 $0x4E000, s2  }
0x8: {  	s13 =	sadd.s32 $0x4E00, s5;
	s15 =	sadd.s32 $0x5D000, s5;
	s17 =	smul.u32 $0x2700, s2  }
0x9: {  	s20 =	sadd.s32 $0x138000, s1;
	s4 =	sshll.u32 s11, $0x4;
	s19 =	smul.u32 $0x138800, s11  }
0xa: {  	_ =	strace $0x80000047;
	s6 =	ssub.s32 $0x2, s11;
	s21 =	smul.u32 $0x27100, s11  }
0xb: {  	p0 =	sne.s32 s2, $0xF;
	s8 =	sor.u32 s2, s4;
	s9 =	sshrl.u32 s6, $0x1  }
0xc: {  	s4 =	sadd.s32 $0xEE00, s5;
	s7 =	smul.u32 $0x500, s8;
	s16 =	ssub.s32 s6, s9  }
0xd: {  	s25 =	sshrl.u32 s14, $0x2;
	s26 =	smul.u32 $0x2800, s8;
	s8 =	sadd.s32 s10, s17  }
0xe: {  	s10 =	sadd.s32 $0x27000, s10;
	s19 =	sshrl.u32 s19, $0x3;
	s30 =	sadd.s32 s17, s21  }
0xf: {  	s21 =	simm.s32 $0x2800;
	s18 =	sadd.s32 s25, s1;
	s31 =	sadd.s32 s15, s19  }
0x10: {  	s19 =	simm.s32 $0x1;
	s25 =	simm.s32 $0x3;
	s5 =	sadd.s32 s13, s7  }
0x11: {  	s6 =	sadd.s32 s12, s7;
	s7 =	sshll.u32 s2, $0x6;
	s14 =	sshrl.u32 s26, $0x3  }
0x12: {  	s17 =	sshrl.u32 s18, $0x3;
	s18 =	sshrl.u32 @!p0 s20, $0x3;
	s20 =	simm.s32 $0x7D  }
0x13: {  	s26 =	simm.s32 $0x2700;
	s9 =	sor.u32 $0x1C02, s7;
	s14 =	sadd.s32 $0x280, s14  }
0x14: {  	s11 =	sadd.s32 s13, s14;
	s12 =	sadd.s32 s12, s14;
	s13 =	sadd.s32 s15, s30  }
0x15: {  	s14 =	sadd.s32 $0x27000, s31;
	s15 =	smax.u32 s16, $0x1;
	s16 =	simm.s32 $0x1400  }
.LBB2_1:
0x16: {  	[tilespmem:s3], [sflag:$0x1] =	stream.linear.gather [hbm4b:s5+s3], $0x1400, $0x38;
	[tilespmem:$0x1E080] =	vst v63  }
0x17: {  	_ = 	snop  }
0x18: {  	[tilespmem:s16], [sflag:$0x1] =	stream.linear.gather [hbm4b:s6+s3], $0x1400, $0x38;
	[tilespmem:$0x1E080] =	vst v63  }
0x19: {  	[spmem:s17], [sflag:s9] =	dma.local [hbm:s8], $0x2700  }
0x1a: {  	[spmem:s18], [sflag:s9] =	dma.local @!p0 [hbm:s10], $0x100  }
0x1b: {  	_ =	swait.ge [sflag:s19], $0x1400  }
0x1c: {  	[sflag:s19] =	ssyncset.done $0x0  }
0x1d: {  	[sflag:s19] =	ssyncadd.s32 $0xFFFFEC00  }
0x1e: {  	_ =	swait.ge [sflag:s19], $0x1400  }
0x1f: {  	[sflag:s19] =	ssyncset.done $0x0  }
0x20: {  	[sflag:s19] =	ssyncadd.s32 $0xFFFFEC00  }
0x21: {  	[tilespmem:s21], [sflag:$0x1] =	stream.indirect.gather [hbm4b:s4+s20], $0x80, s3, s20, $0xb8;
	[tilespmem:$0x1E080] =	vst v63  }
0x22: {  	_ = 	snop  }
0x23: {  	[tilespmem:s23], [sflag:$0x1] =	stream.indirect.gather [hbm4b:s4+s20], $0x80, s22, s20, $0xb8;
	[tilespmem:$0x1E080] =	vst v63  }
0x24: {  	_ =	swait.ge [sflag:s24], $0x2700  }
0x25: {  	[sflag:s24] =	ssyncset.done $0x0  }
0x26: {  	s30 =	simm.s32 @!p0 $0x2;
	[sflag:s24] =	ssyncadd.s32 $0xFFFFD900  }
0x27: {  	_ =	swait.ge @!p0 [sflag:s30], $0x100  }
0x28: {  	[sflag:s30] =	ssyncset.done @!p0 $0x0  }
0x29: {  	[sflag:s30] =	ssyncadd.s32 @!p0 $0xFFFFFF00  }
0x2a: {  	[bflag:$0x0] =	sbarrier.arrive $0xFFFF  }
0x2b: {  	_ =	swait.ge [sflag:s19], $0x3E80  }
0x2c: {  	[sflag:s19] =	ssyncset.done $0x0  }
0x2d: {  	s30 =	simm.s32 $0x1400;
	[sflag:s19] =	ssyncadd.s32 $0xFFFFC180  }
0x2e: {  	[spmem:s1] =	stream.indirect.scatter.add.f32 [tilespmem:s21], [sflag:$0x3], $0x80, s30, s20, $0xb8;
	[tilespmem:$0x1E080] =	vst v63  }
0x2f: {  	_ =	swait.ge [sflag:s25], $0x3E80  }
0x30: {  	[sflag:s25] =	ssyncset.done $0x0  }
0x31: {  	s30 =	simm.s32 $0x100;
	[sflag:s25] =	ssyncadd.s32 $0xFFFFC180  }
0x32: {  	[tilespmem:s21], [sflag:$0x1] =	stream.indirect.gather [hbm4b:s4+s20], $0x80, s30, s20, $0xb8;
	[tilespmem:$0x1E080] =	vst v63  }
0x33: {  	_ =	swait.ge [sflag:s19], $0x3E80  }
0x34: {  	[sflag:s19] =	ssyncset.done $0x0  }
0x35: {  	s30 =	simm.s32 $0x1480;
	[sflag:s19] =	ssyncadd.s32 $0xFFFFC180  }
0x36: {  	[spmem:s1] =	stream.indirect.scatter.add.f32 [tilespmem:s23], [sflag:$0x3], $0x80, s30, s20, $0xb8;
	[tilespmem:$0x1E080] =	vst v63  }
0x37: {  	_ =	swait.ge [sflag:s25], $0x3E80  }
0x38: {  	[sflag:s25] =	ssyncset.done $0x0  }
0x39: {  	s31 =	simm.s32 $0x180;
	s30 =	simm.s32 $0x400;
	[sflag:s25] =	ssyncadd.s32 $0xFFFFC180  }
.LBB2_2:
0x3a: {  	[tilespmem:s23], [sflag:$0x1] =	stream.indirect.gather [hbm4b:s4+s20], $0x80, s31, s20, $0xb8;
	[tilespmem:$0x1E080] =	vst v63  }
0x3b: {  	s31 =	smov.u32 s30  }
0x3c: {  	p1 =	sne.s32 s30, $0x4800;
	s30 =	sadd.s32 $0x400, s30;
	_ =	swait.ge [sflag:s19], $0x3E80  }
0x3d: {  	s31 =	sshra.s32 s31, $0x2;
	[sflag:s19] =	ssyncset.done $0x0  }
0x3e: {  	s0 =	sadd.s32 $0x1400, s31;
	[sflag:s19] =	ssyncadd.s32 $0xFFFFC180  }
0x3f: {  	[spmem:s1] =	stream.indirect.scatter.add.f32 [tilespmem:s21], [sflag:$0x3], $0x80, s0, s20, $0xb8;
	[tilespmem:$0x1E080] =	vst v63  }
0x40: {  	_ =	swait.ge [sflag:s25], $0x3E80  }
0x41: {  	[sflag:s25] =	ssyncset.done $0x0  }
0x42: {  	s0 =	sadd.s32 $0x100, s31;
	[sflag:s25] =	ssyncadd.s32 $0xFFFFC180  }
0x43: {  	[tilespmem:s21], [sflag:$0x1] =	stream.indirect.gather [hbm4b:s4+s20], $0x80, s0, s20, $0xb8;
	[tilespmem:$0x1E080] =	vst v63  }
0x44: {  	_ =	swait.ge [sflag:s19], $0x3E80  }
0x45: {  	[sflag:s19] =	ssyncset.done $0x0  }
.Ltmp0:
0x46: {  	s0 =	sadd.s32 $0x1480, s31;
	[sflag:s19] =	ssyncadd.s32 $0xFFFFC180;
	(pc) =	sbr.rel @p1 .LBB2_2-.Ltmp0, $4  }
0x47: {  	[spmem:s1] =	stream.indirect.scatter.add.f32 [tilespmem:s23], [sflag:$0x3], $0x80, s0, s20, $0xb8;
	[tilespmem:$0x1E080] =	vst v63  }
0x48: {  	_ =	swait.ge [sflag:s25], $0x3E80  }
0x49: {  	[sflag:s25] =	ssyncset.done $0x0  }
0x4a: {  	s31 =	sadd.s32 $0x180, s31;
	[sflag:s25] =	ssyncadd.s32 $0xFFFFC180  }
0x4b: {  	[tilespmem:s23], [sflag:$0x1] =	stream.indirect.gather [hbm4b:s4+s20], $0x80, s31, s20, $0xb8;
	[tilespmem:$0x1E080] =	vst v63  }
0x4c: {  	_ =	swait.ge [sflag:s19], $0x3E80  }
0x4d: {  	[sflag:s19] =	ssyncset.done $0x0  }
0x4e: {  	[sflag:s19] =	ssyncadd.s32 $0xFFFFC180  }
0x4f: {  	[spmem:s1] =	stream.indirect.scatter.add.f32 [tilespmem:s21], [sflag:$0x3], $0x80, s26, s20, $0xb8;
	[tilespmem:$0x1E080] =	vst v63  }
0x50: {  	_ =	swait.ge [sflag:s25], $0x3E80  }
0x51: {  	[sflag:s25] =	ssyncset.done $0x0  }
0x52: {  	[sflag:s25] =	ssyncadd.s32 $0xFFFFC180  }
0x53: {  	_ =	swait.ge [sflag:s19], $0x3E80  }
0x54: {  	[sflag:s19] =	ssyncset.done $0x0  }
0x55: {  	[sflag:s19] =	ssyncadd.s32 $0xFFFFC180  }
0x56: {  	[spmem:s1] =	stream.indirect.scatter.add.f32 [tilespmem:s23], [sflag:$0x3], $0x80, s28, s20, $0xb8;
	[tilespmem:$0x1E080] =	vst v63  }
0x57: {  	_ =	swait.ge [sflag:s25], $0x3E80  }
0x58: {  	[sflag:s25] =	ssyncset.done $0x0  }
0x59: {  	s0 =	simm.s32 $0x0;
	[sflag:s25] =	ssyncadd.s32 $0xFFFFC180  }
0x5a: {  	[tilespmem:s0], [sflag:$0x3] =	stream.linear.gather [hbm4b:s11+s0], $0x1400, $0x38;
	[tilespmem:$0x1E080] =	vst v63  }
0x5b: {  	_ =	swait.ge [sflag:s25], $0x1400  }
0x5c: {  	[sflag:s25] =	ssyncset.done $0x0  }
0x5d: {  	[sflag:s25] =	ssyncadd.s32 $0xFFFFEC00  }
0x5e: {  	[tilespmem:s16], [sflag:$0x3] =	stream.linear.gather [hbm4b:s12+s0], $0x1400, $0x38;
	[tilespmem:$0x1E080] =	vst v63  }
0x5f: {  	_ =	swait.ge [sflag:s25], $0x1400  }
0x60: {  	[sflag:s25] =	ssyncset.done $0x0  }
0x61: {  	[sflag:s25] =	ssyncadd.s32 $0xFFFFEC00  }
0x62: {  	[tilespmem:s21], [sflag:$0x1] =	stream.indirect.gather [hbm4b:s4+s20], $0x80, s0, s20, $0xb8;
	[tilespmem:$0x1E080] =	vst v63  }
0x63: {  	_ = 	snop  }
0x64: {  	[tilespmem:s23], [sflag:$0x1] =	stream.indirect.gather [hbm4b:s4+s20], $0x80, s22, s20, $0xb8;
	[tilespmem:$0x1E080] =	vst v63  }
0x65: {  	_ =	swait.ge [sflag:s19], $0x3E80  }
0x66: {  	[sflag:s19] =	ssyncset.done $0x0  }
0x67: {  	s0 =	simm.s32 $0x1400;
	[sflag:s19] =	ssyncadd.s32 $0xFFFFC180  }
0x68: {  	[spmem:s1] =	stream.indirect.scatter.add.f32 [tilespmem:s21], [sflag:$0x3], $0x80, s0, s20, $0xb8;
	[tilespmem:$0x1E080] =	vst v63  }
0x69: {  	_ =	swait.ge [sflag:s25], $0x3E80  }
0x6a: {  	[sflag:s25] =	ssyncset.done $0x0  }
0x6b: {  	s0 =	simm.s32 $0x100;
	[sflag:s25] =	ssyncadd.s32 $0xFFFFC180  }
0x6c: {  	[tilespmem:s21], [sflag:$0x1] =	stream.indirect.gather [hbm4b:s4+s20], $0x80, s0, s20, $0xb8;
	[tilespmem:$0x1E080] =	vst v63  }
0x6d: {  	_ =	swait.ge [sflag:s19], $0x3E80  }
0x6e: {  	[sflag:s19] =	ssyncset.done $0x0  }
0x6f: {  	s0 =	simm.s32 $0x1480;
	[sflag:s19] =	ssyncadd.s32 $0xFFFFC180  }
0x70: {  	[spmem:s1] =	stream.indirect.scatter.add.f32 [tilespmem:s23], [sflag:$0x3], $0x80, s0, s20, $0xb8;
	[tilespmem:$0x1E080] =	vst v63  }
0x71: {  	_ =	swait.ge [sflag:s25], $0x3E80  }
0x72: {  	[sflag:s25] =	ssyncset.done $0x0  }
0x73: {  	s30 =	simm.s32 $0x400;
	s31 =	simm.s32 $0x180;
	[sflag:s25] =	ssyncadd.s32 $0xFFFFC180  }
.LBB2_4:
0x74: {  	[tilespmem:s23], [sflag:$0x1] =	stream.indirect.gather [hbm4b:s4+s20], $0x80, s31, s20, $0xb8;
	[tilespmem:$0x1E080] =	vst v63  }
0x75: {  	s0 =	smov.u32 s30  }
0x76: {  	p1 =	sne.s32 s30, $0x4800;
	s30 =	sadd.s32 $0x400, s30;
	_ =	swait.ge [sflag:s19], $0x3E80  }
0x77: {  	s0 =	sshra.s32 s0, $0x2;
	[sflag:s19] =	ssyncset.done $0x0  }
0x78: {  	s31 =	sadd.s32 $0x1400, s0;
	[sflag:s19] =	ssyncadd.s32 $0xFFFFC180  }
0x79: {  	[spmem:s1] =	stream.indirect.scatter.add.f32 [tilespmem:s21], [sflag:$0x3], $0x80, s31, s20, $0xb8;
	[tilespmem:$0x1E080] =	vst v63  }
0x7a: {  	_ =	swait.ge [sflag:s25], $0x3E80  }
0x7b: {  	[sflag:s25] =	ssyncset.done $0x0  }
0x7c: {  	s31 =	sadd.s32 $0x100, s0;
	[sflag:s25] =	ssyncadd.s32 $0xFFFFC180  }
0x7d: {  	[tilespmem:s21], [sflag:$0x1] =	stream.indirect.gather [hbm4b:s4+s20], $0x80, s31, s20, $0xb8;
	[tilespmem:$0x1E080] =	vst v63  }
0x7e: {  	_ =	swait.ge [sflag:s19], $0x3E80  }
0x7f: {  	[sflag:s19] =	ssyncset.done $0x0  }
.Ltmp1:
0x80: {  	s31 =	sadd.s32 $0x1480, s0;
	[sflag:s19] =	ssyncadd.s32 $0xFFFFC180;
	(pc) =	sbr.rel @p1 .LBB2_4-.Ltmp1, $4  }
0x81: {  	[spmem:s1] =	stream.indirect.scatter.add.f32 [tilespmem:s23], [sflag:$0x3], $0x80, s31, s20, $0xb8;
	[tilespmem:$0x1E080] =	vst v63  }
0x82: {  	_ =	swait.ge [sflag:s25], $0x3E80  }
0x83: {  	[sflag:s25] =	ssyncset.done $0x0  }
0x84: {  	s31 =	sadd.s32 $0x180, s0;
	[sflag:s25] =	ssyncadd.s32 $0xFFFFC180  }
0x85: {  	[tilespmem:s23], [sflag:$0x1] =	stream.indirect.gather [hbm4b:s4+s20], $0x80, s31, s20, $0xb8;
	[tilespmem:$0x1E080] =	vst v63  }
0x86: {  	_ =	swait.ge [sflag:s19], $0x3E80  }
0x87: {  	[sflag:s19] =	ssyncset.done $0x0  }
0x88: {  	[sflag:s19] =	ssyncadd.s32 $0xFFFFC180  }
0x89: {  	[spmem:s1] =	stream.indirect.scatter.add.f32 [tilespmem:s21], [sflag:$0x3], $0x80, s26, s20, $0xb8;
	[tilespmem:$0x1E080] =	vst v63  }
0x8a: {  	_ =	swait.ge [sflag:s25], $0x3E80  }
0x8b: {  	[sflag:s25] =	ssyncset.done $0x0  }
0x8c: {  	[sflag:s25] =	ssyncadd.s32 $0xFFFFC180  }
0x8d: {  	_ =	swait.ge [sflag:s19], $0x3E80  }
0x8e: {  	[sflag:s19] =	ssyncset.done $0x0  }
0x8f: {  	[sflag:s19] =	ssyncadd.s32 $0xFFFFC180  }
0x90: {  	[spmem:s1] =	stream.indirect.scatter.add.f32 [tilespmem:s23], [sflag:$0x3], $0x80, s28, s20, $0xb8;
	[tilespmem:$0x1E080] =	vst v63  }
0x91: {  	_ =	swait.ge [sflag:s25], $0x3E80  }
0x92: {  	[sflag:s25] =	ssyncset.done $0x0  }
0x93: {  	[sflag:s25] =	ssyncadd.s32 $0xFFFFC180  }
0x94: {  	s0 =	sor.u32 $0x1C03, s7;
	[bflag:$0x0] =	sbarrier.arrive $0xFFFF  }
0x95: {  	[hbm:s13], [sflag:s0] =	dma.local [spmem:s17], $0x2700  }
0x96: {  	_ =	swait.ge [sflag:s25], $0x2700  }
0x97: {  	s29 =	sadd.s32 $0x1, s29;
	[sflag:s25] =	ssyncset.done $0x0  }
0x98: {  	p1 =	sne.s32 s29, s15;
	[sflag:s25] =	ssyncadd.s32 $0xFFFFD900  }
0x99: {  	[hbm:s14], [sflag:s0] =	dma.local @!p0 [spmem:s18], $0x100  }
.Ltmp2:
0x9a: {  	_ = 	snop;
	(pc) =	sbr.rel @p1 .LBB2_1-.Ltmp2, $4  }
0x9b: {  	s0 =	simm.s32 @!p0 $0x3  }
0x9c: {  	_ =	swait.ge @!p0 [sflag:s0], $0x100  }
0x9d: {  	[sflag:s0] =	ssyncset.done @!p0 $0x0  }
0x9e: {  	[sflag:s0] =	ssyncadd.s32 @!p0 $0xFFFFFF00  }
0x9f: {  	_ =	sfence.sel $0x180000  }
0xa0: {  	[bflag:$0x0] =	sbarrier.arrive $0xFFFF  }
0xa1: {  	_ =	strace $0x90000047  }
0xa2: {  	[bflag:$0x2] =	sbarrier.arrive $0xFFFF  }
0xa3: {  	p0 =	sne.s32 s2, $0x0;
	s0 =	rddreg [dreg:$0x4]  }
0xa4: {  	s0 =	sadd.s32 @!p0 $0x100000, s0  }
0xa5: {  	[sflag:s0] =	ssyncadd.tile.s32 @!p0 $0x1;
	_ =	shalt  }
.Lfunc_end2:
_tile_overlayer_lowered:
.L_overlay_start_2:
0xa6: {  	(tag) =	ssettag $0x2  }
0xa7: {  	s0 =	rddreg [dreg:$0x0];
	s2 =	stileid.u32  }
0xa8: {  	s1 =	rddreg [dreg:$0x1];
	p0 =	sne.s32 s2, $0x0  }
0xa9: {  	s3 =	rddreg [dreg:$0x2];
	[bflag:$0x3] =	sbarrier.arrive $0xFFFF;
	s2 =	simm.s32 @!p0 $0x1C03  }
0xaa: {  	[timem:s3], [sflag:s2] =	dma.local @!p0 [hbm:s0], s1  }
0xab: {  	s0 =	simm.s32 @!p0 $0x3  }
0xac: {  	_ =	swait.ge @!p0 [sflag:s0], s1  }
0xad: {  	s1 =	ssub.s32 @!p0 $0x0, s1;
	[sflag:s0] =	ssyncset.done @!p0 $0x0  }
0xae: {  	[sflag:s0] =	ssyncadd.s32 @!p0 s1  }
0xaf: {  	[bflag:$0x3] =	sbarrier.arrive $0xFFFF  }
0xb0: {  	_ =	shalt  }

</sc_bundles>
